<compile_context>
chip_gen: v7x
topology: tpu7x:2x2x1
jax: 0.10.2.dev20260603
libtpu: 0.0.44.dev20260713+nightly
codegen_flags: <defaults>
</compile_context>

<pallas_src>
import functools

import jax
import jax.numpy as jnp
from jax import lax
from jax.experimental import pallas as pl
from jax.experimental.pallas import tpu as pltpu
from jax.experimental.pallas import tpu_sc as plsc

N_NODES = 10000
HIDDEN = 128
TOP_K = 10
N_EDGES = 320000
NC = 2
NS = 16
NW = NC * NS
EPW = N_EDGES // NW


_UNROLL = 16


def _sc_mask_body(edge_hbm, out_hbm, idx_v, mask_v):
    wid = lax.axis_index("s") * NC + lax.axis_index("c")
    base = wid * EPW
    pltpu.sync_copy(edge_hbm.at[pl.ds(N_EDGES + base, EPW)], idx_v)

    zeros16 = jnp.zeros((16,), jnp.float32)

    def zero_body(i, carry):
        for u in range(_UNROLL):
            mask_v[pl.ds((i * _UNROLL + u) * 16, 16)] = zeros16
        return carry

    lax.fori_loop(0, N_NODES // (16 * _UNROLL), zero_body, 0)
    mask_v[pl.ds(N_NODES - 16, 16)] = zeros16

    ones16 = jnp.ones((16,), jnp.float32)

    def scatter_body(i, carry):
        for u in range(_UNROLL):
            idx = idx_v[pl.ds((i * _UNROLL + u) * 16, 16)]
            plsc.store_scatter(mask_v, [idx], ones16)
        return carry

    lax.fori_loop(0, EPW // (16 * _UNROLL), scatter_body, 0)
    idx = idx_v[pl.ds(EPW - 16, 16)]
    plsc.store_scatter(mask_v, [idx], ones16)
    pltpu.sync_copy(mask_v, out_hbm.at[wid])


@functools.cache
def _sc_mask():
    return pl.kernel(
        _sc_mask_body,
        mesh=plsc.VectorSubcoreMesh(
            core_axis_name="c", subcore_axis_name="s",
            num_cores=NC, num_subcores=NS),
        out_type=jax.ShapeDtypeStruct((NW, N_NODES), jnp.float32),
        scratch_types=[
            pltpu.VMEM((EPW,), jnp.int32),
            pltpu.VMEM((N_NODES,), jnp.float32),
        ],
        compiler_params=pltpu.CompilerParams(needs_layout_passes=False),
    )


def _tc_imp_body(x_ref, w1_ref, b1_ref, w2r_ref, b2_ref, imp_ref, mean_ref):
    x = x_ref[...]
    h1 = jnp.dot(x, w1_ref[...], preferred_element_type=jnp.float32)
    h1 = jnp.maximum(h1 + b1_ref[...], 0.0)
    imp_ref[...] = lax.dot_general(
        w2r_ref[...], h1, (((1,), (1,)), ((), ())),
        preferred_element_type=jnp.float32) + b2_ref[...]
    mean_ref[...] = jnp.sum(x, axis=0, keepdims=True) * (1.0 / N_NODES)


def _tc_body(x_ref, mask_ref, imp_ref, mean_ref,
             w0_ref, b0_ref, g0_ref, be0_ref, sel_ref, h_ref,
             tgt_v, sem):
    neg_inf = jnp.float32(-jnp.inf)
    impT = imp_ref[...]

    msum = jnp.sum(mask_ref[...], axis=0, keepdims=True)
    score = jnp.where(msum > 0.0, impT, neg_inf)

    idxs = lax.broadcasted_iota(jnp.int32, (1, N_NODES), 1)
    avail = idxs >= 0
    sels = []
    for _ in range(TOP_K):
        cand = jnp.where(avail, score, neg_inf)
        m = jnp.max(cand)
        eq = (cand == m) & avail
        sel = jnp.min(jnp.where(eq, idxs, N_NODES))
        sels.append(sel)
        avail = avail & (idxs != sel)

    tgt_v[pl.ds(8, 8), :] = jnp.zeros((8, 128), jnp.float32)
    copies = [
        pltpu.make_async_copy(
            x_ref.at[pl.ds(sels[k], 1), :], tgt_v.at[pl.ds(k, 1), :], sem)
        for k in range(TOP_K)
    ]
    for c in copies:
        c.start()
    for c in copies:
        c.wait()
    tgt = tgt_v[...]

    src = jnp.broadcast_to(mean_ref[...], (16, HIDDEN))
    combined = jnp.concatenate([src, tgt], axis=1)

    z = jnp.dot(combined, w0_ref[...],
                preferred_element_type=jnp.float32) + b0_ref[...]
    mu = jnp.mean(z, axis=1, keepdims=True)
    var = jnp.mean((z - mu) ** 2, axis=1, keepdims=True)
    h = (z - mu) / jnp.sqrt(var + 1e-5) * g0_ref[...] + be0_ref[...]
    h_ref[...] = jnp.maximum(h, 0.0)

    r8 = lax.broadcasted_iota(jnp.int32, (8, 128), 0)
    c128 = lax.broadcasted_iota(jnp.int32, (8, 128), 1)
    selmat = jnp.zeros((8, 128), jnp.int32)
    for k in range(TOP_K):
        selmat = jnp.where((r8 == 0) & (c128 == k), sels[k], selmat)
    sel_ref[...] = selmat


_tc_imp_call = pl.pallas_call(
    _tc_imp_body,
    out_shape=[
        jax.ShapeDtypeStruct((1, N_NODES), jnp.float32),
        jax.ShapeDtypeStruct((1, HIDDEN), jnp.float32),
    ],
)

_tc_call = pl.pallas_call(
    _tc_body,
    in_specs=[
        pl.BlockSpec(memory_space=pl.ANY),
    ] + [pl.BlockSpec()] * 7 + [
    ],
    out_shape=[
        jax.ShapeDtypeStruct((8, 128), jnp.int32),
        jax.ShapeDtypeStruct((16, HIDDEN), jnp.float32),
    ],
    scratch_shapes=[
        pltpu.VMEM((16, HIDDEN), jnp.float32),
        pltpu.SemaphoreType.DMA,
    ],
)


def kernel(x, edge_index, hop_W0, hop_b0, hop_g0, hop_be0,
           hop_W1, hop_b1, hop_g1, hop_be1, imp_W1, imp_b1, imp_W2, imp_b2):
    xf = x.astype(jnp.float32)
    mask32 = _sc_mask()(edge_index.astype(jnp.int32).reshape(2 * N_EDGES))
    impT, mean = _tc_imp_call(
        xf,
        imp_W1,
        imp_b1.reshape(1, -1),
        imp_W2.reshape(1, -1),
        imp_b2.reshape(1, 1),
    )
    sel_mat, h16 = _tc_call(
        xf,
        mask32,
        impT,
        mean,
        hop_W0,
        hop_b0.reshape(1, -1),
        hop_g0.reshape(1, -1),
        hop_be0.reshape(1, -1),
    )
    selected = sel_mat[0, :TOP_K]
    h = h16[:TOP_K]
    return (selected, h)

# --- scband reference (transcript-rebuilt; emitter-appended) ---
"""Pipeline reference for scband-multi-hop-broadcast-22617297781307 (READ-ONLY COPY).

The authoritative reference and input builder live on the scoring server;
editing this copy changes nothing except your own understanding.
"""

import jax, jax.numpy as jnp
import numpy as np

N_NODES = 10000
N_EDGES = 320000
HIDDEN = 128
MAX_HOPS = 2
TOP_K = 10


def _membership_mask(n, idx):
    return jnp.zeros((n,), dtype=bool).at[idx].set(True)


def _layer_norm(h, g, b):
    mu = jnp.mean(h, axis=-1, keepdims=True)
    var = jnp.mean((h - mu) ** 2, axis=-1, keepdims=True)
    return (h - mu) / jnp.sqrt(var + 1e-5) * g + b


def setup_inputs(seed: int = 0):
    key = jax.random.key(seed)
    ks = jax.random.split(key, 14)
    x = jax.random.normal(ks[0], (N_NODES, HIDDEN), dtype=jnp.float32)
    edge_index = jax.random.randint(ks[1], (2, N_EDGES), 0, N_NODES)
    s1 = 1.0 / np.sqrt(2 * HIDDEN)
    s2 = 1.0 / np.sqrt(HIDDEN)
    s3 = 1.0 / np.sqrt(HIDDEN // 2)
    inp = {"x": x, "edge_index": edge_index}
    inp["hop_W0"] = jax.random.uniform(ks[2], (2 * HIDDEN, HIDDEN), minval=-s1, maxval=s1, dtype=jnp.float32)
    inp["hop_b0"] = jax.random.uniform(ks[3], (HIDDEN,), minval=-s1, maxval=s1, dtype=jnp.float32)
    inp["hop_g0"] = jnp.ones((HIDDEN,), dtype=jnp.float32)
    inp["hop_be0"] = jnp.zeros((HIDDEN,), dtype=jnp.float32)
    inp["hop_W1"] = jax.random.uniform(ks[4], (2 * HIDDEN, HIDDEN), minval=-s1, maxval=s1, dtype=jnp.float32)
    inp["hop_b1"] = jax.random.uniform(ks[5], (HIDDEN,), minval=-s1, maxval=s1, dtype=jnp.float32)
    inp["hop_g1"] = jnp.ones((HIDDEN,), dtype=jnp.float32)
    inp["hop_be1"] = jnp.zeros((HIDDEN,), dtype=jnp.float32)
    inp["imp_W1"] = jax.random.uniform(ks[6], (HIDDEN, HIDDEN // 2), minval=-s2, maxval=s2, dtype=jnp.float32)
    inp["imp_b1"] = jax.random.uniform(ks[7], (HIDDEN // 2,), minval=-s2, maxval=s2, dtype=jnp.float32)
    inp["imp_W2"] = jax.random.uniform(ks[8], (HIDDEN // 2, 1), minval=-s3, maxval=s3, dtype=jnp.float32)
    inp["imp_b2"] = jax.random.uniform(ks[9], (1,), minval=-s3, maxval=s3, dtype=jnp.float32)
    return inp


def reference(x, edge_index, hop_W0, hop_b0, hop_g0, hop_be0, hop_W1, hop_b1, hop_g1, hop_be1, imp_W1, imp_b1, imp_W2, imp_b2):
    n = x.shape[0]
    # importance_scorer: Linear -> ReLU -> Linear
    importance = (jnp.maximum(x @ imp_W1 + imp_b1, 0.0) @ imp_W2 + imp_b2)[:, 0]
    hop_params = [(hop_W0, hop_b0, hop_g0, hop_be0), (hop_W1, hop_b1, hop_g1, hop_be1)]
    # source_nodes is None -> broadcast from all nodes
    current = jnp.arange(n)
    visited = jnp.zeros((n,), dtype=bool)
    any_visited = False
    all_visited = False
    outs = []
    for hop in range(MAX_HOPS):
        if any_visited and all_visited:
            # every node already visited: new_neighbors is empty for any data
            break
        cur_mask = _membership_mask(n, current)
        emask = cur_mask[edge_index[0]]  # equivalent to torch.isin(edge_index[0], current)
        # fixed-shape membership mask of the unique neighbor set
        nb_mask = (jnp.zeros((n,), dtype=jnp.int32).at[edge_index[1]].add(emask.astype(jnp.int32)) > 0)
        if any_visited:
            new_mask = nb_mask & ~visited
        else:
            new_mask = nb_mask
        # unique() yields ascending node ids; top_k breaks ties toward lower
        # indices, so top_k over a full-length masked score selects the same ids
        score = jnp.where(new_mask, importance, -jnp.inf)
        _, selected = jax.lax.top_k(score, TOP_K)
        src = jnp.broadcast_to(jnp.mean(x[current], axis=0, keepdims=True), (selected.shape[0], x.shape[1]))
        tgt = x[selected]
        combined = jnp.concatenate([src, tgt], axis=-1)
        W, b, g, be = hop_params[hop]
        h = jnp.maximum(_layer_norm(combined @ W + b, g, be), 0.0)  # Dropout is identity in eval
        outs.append(selected)
        outs.append(h)
        visited = visited.at[current].set(True)
        if hop == 0:
            # current is arange(n) on the first hop, so visited now covers all nodes
            all_visited = True
        any_visited = True
        current = selected
    return tuple(outs)

if __name__ == "__main__":
    import jax
    _d = setup_inputs()
    print(jax.jit(kernel)(*tuple(_d.values())))

</pallas_src>

<mosaic_0001>
#map = affine_map<(d0, d1) -> (0)>
#map1 = affine_map<(d0, d1) -> (0, 0)>
module attributes {stable_mosaic.version = 14 : i64} {
  func.func @_sc_mask_body(%arg0: i32, %arg1: i32, %arg2: memref<640000xi32, #tpu.memory_space<hbm>>, %arg3: memref<32x10000xf32, #tpu.memory_space<hbm>>, %arg4: memref<10000xi32, #tpu.memory_space<vmem>>, %arg5: memref<10000xf32, #tpu.memory_space<vmem>>) attributes {dimension_semantics = [#tpu.dimension_semantics<core_parallel>, #tpu.dimension_semantics<subcore_parallel>], iteration_bounds = array<i64: 2, 16>, scalar_prefetch = 0 : i64, scratch_operands = 2 : i64, tpu.core_type = #tpu.core_type<sc_vector_subcore>, window_params = [{transform_indices = #map}, {transform_indices = #map1}]} {
    %mul3A = arith.constant 2 : i32
    %mul3A_0 = arith.muli %arg1, %mul3A : i32
    %add3A = arith.addi %mul3A_0, %arg0 : i32
    %mul3A_1 = arith.constant 10000 : i32
    %mul3A_2 = arith.muli %add3A, %mul3A_1 : i32
    %add3A_3 = arith.constant 320000 : i32
    %add3A_4 = arith.addi %add3A_3, %mul3A_2 : i32
    "tpu.region"() ({
      %run_scoped3A = tpu.sem_alloc : memref<!tpu.dma_semaphore, #tpu.memory_space<semaphore_mem>>
      %dma_start3A = tpu.memref_slice %arg2[%add3A_4] : memref<640000xi32, #tpu.memory_space<hbm>> -> memref<10000xi32, #tpu.memory_space<hbm>>
      %dma_start3A_21 = tpu.memref_slice %arg2[%add3A_4] : memref<640000xi32, #tpu.memory_space<hbm>> -> memref<10000xi32, #tpu.memory_space<hbm>>
      tpu.enqueue_dma source(%dma_start3A_21 : memref<10000xi32, #tpu.memory_space<hbm>>) target(%arg4 : memref<10000xi32, #tpu.memory_space<vmem>>) target_semaphore(%run_scoped3A : memref<!tpu.dma_semaphore, #tpu.memory_space<semaphore_mem>>)
      %dma_wait3A = tpu.memref_slice %arg2[%add3A_4] : memref<640000xi32, #tpu.memory_space<hbm>> -> memref<10000xi32, #tpu.memory_space<hbm>>
      %dma_wait3A_22 = tpu.memref_slice %arg2[%add3A_4] : memref<640000xi32, #tpu.memory_space<hbm>> -> memref<10000xi32, #tpu.memory_space<hbm>>
      tpu.wait_dma2 semaphore(%run_scoped3A : memref<!tpu.dma_semaphore, #tpu.memory_space<semaphore_mem>>) src(%dma_wait3A_22 : memref<10000xi32, #tpu.memory_space<hbm>>) dst(%arg4 : memref<10000xi32, #tpu.memory_space<vmem>>)
      tpu.yield
    }) : () -> ()
    %broadcast_in_dim3A = arith.constant 0.000000e+00 : f32
    %broadcast_in_dim3A_5 = vector.broadcast %broadcast_in_dim3A : f32 to vector<16xf32>
    %scan3A = arith.constant 0 : i32
    %scan3A_6 = arith.constant 0 : i32
    %scan3A_7 = arith.constant 39 : i32
    %scan3A_8 = arith.addi %scan3A_6, %scan3A_7 : i32
    %scan3A_9 = arith.constant 1 : i32
    scf.for %scan3A_21 = %scan3A_6 to %scan3A_8 step %scan3A_9  : i32 {
      %mul3A_22 = arith.constant 16 : i32
      %mul3A_23 = arith.muli %scan3A_21, %mul3A_22 : i32
      %add3A_24 = arith.constant 0 : i32
      %add3A_25 = arith.addi %mul3A_23, %add3A_24 : i32
      %mul3A_26 = arith.constant 16 : i32
      %mul3A_27 = arith.muli %add3A_25, %mul3A_26 : i32
      %swap3A_28 = arith.index_cast %mul3A_27 : i32 to index
      %swap3A_29 = tpu.vector_load %arg5[%swap3A_28] {strides = array<i32>} : memref<10000xf32, #tpu.memory_space<vmem>>, vector<16xf32>,
      tpu.vector_store %arg5[%swap3A_28], %broadcast_in_dim3A_5 {strides = array<i32>} : memref<10000xf32, #tpu.memory_space<vmem>>, vector<16xf32>,
      %mul3A_30 = arith.constant 16 : i32
      %mul3A_31 = arith.muli %scan3A_21, %mul3A_30 : i32
      %add3A_32 = arith.constant 1 : i32
      %add3A_33 = arith.addi %mul3A_31, %add3A_32 : i32
      %mul3A_34 = arith.constant 16 : i32
      %mul3A_35 = arith.muli %add3A_33, %mul3A_34 : i32
      %swap3A_36 = arith.index_cast %mul3A_35 : i32 to index
      %swap3A_37 = tpu.vector_load %arg5[%swap3A_36] {strides = array<i32>} : memref<10000xf32, #tpu.memory_space<vmem>>, vector<16xf32>,
      tpu.vector_store %arg5[%swap3A_36], %broadcast_in_dim3A_5 {strides = array<i32>} : memref<10000xf32, #tpu.memory_space<vmem>>, vector<16xf32>,
      %mul3A_38 = arith.constant 16 : i32
      %mul3A_39 = arith.muli %scan3A_21, %mul3A_38 : i32
      %add3A_40 = arith.constant 2 : i32
      %add3A_41 = arith.addi %mul3A_39, %add3A_40 : i32
      %mul3A_42 = arith.constant 16 : i32
      %mul3A_43 = arith.muli %add3A_41, %mul3A_42 : i32
      %swap3A_44 = arith.index_cast %mul3A_43 : i32 to index
      %swap3A_45 = tpu.vector_load %arg5[%swap3A_44] {strides = array<i32>} : memref<10000xf32, #tpu.memory_space<vmem>>, vector<16xf32>,
      tpu.vector_store %arg5[%swap3A_44], %broadcast_in_dim3A_5 {strides = array<i32>} : memref<10000xf32, #tpu.memory_space<vmem>>, vector<16xf32>,
      %mul3A_46 = arith.constant 16 : i32
      %mul3A_47 = arith.muli %scan3A_21, %mul3A_46 : i32
      %add3A_48 = arith.constant 3 : i32
      %add3A_49 = arith.addi %mul3A_47, %add3A_48 : i32
      %mul3A_50 = arith.constant 16 : i32
      %mul3A_51 = arith.muli %add3A_49, %mul3A_50 : i32
      %swap3A_52 = arith.index_cast %mul3A_51 : i32 to index
      %swap3A_53 = tpu.vector_load %arg5[%swap3A_52] {strides = array<i32>} : memref<10000xf32, #tpu.memory_space<vmem>>, vector<16xf32>,
      tpu.vector_store %arg5[%swap3A_52], %broadcast_in_dim3A_5 {strides = array<i32>} : memref<10000xf32, #tpu.memory_space<vmem>>, vector<16xf32>,
      %mul3A_54 = arith.constant 16 : i32
      %mul3A_55 = arith.muli %scan3A_21, %mul3A_54 : i32
      %add3A_56 = arith.constant 4 : i32
      %add3A_57 = arith.addi %mul3A_55, %add3A_56 : i32
      %mul3A_58 = arith.constant 16 : i32
      %mul3A_59 = arith.muli %add3A_57, %mul3A_58 : i32
      %swap3A_60 = arith.index_cast %mul3A_59 : i32 to index
      %swap3A_61 = tpu.vector_load %arg5[%swap3A_60] {strides = array<i32>} : memref<10000xf32, #tpu.memory_space<vmem>>, vector<16xf32>,
      tpu.vector_store %arg5[%swap3A_60], %broadcast_in_dim3A_5 {strides = array<i32>} : memref<10000xf32, #tpu.memory_space<vmem>>, vector<16xf32>,
      %mul3A_62 = arith.constant 16 : i32
      %mul3A_63 = arith.muli %scan3A_21, %mul3A_62 : i32
      %add3A_64 = arith.constant 5 : i32
      %add3A_65 = arith.addi %mul3A_63, %add3A_64 : i32
      %mul3A_66 = arith.constant 16 : i32
      %mul3A_67 = arith.muli %add3A_65, %mul3A_66 : i32
      %swap3A_68 = arith.index_cast %mul3A_67 : i32 to index
      %swap3A_69 = tpu.vector_load %arg5[%swap3A_68] {strides = array<i32>} : memref<10000xf32, #tpu.memory_space<vmem>>, vector<16xf32>,
      tpu.vector_store %arg5[%swap3A_68], %broadcast_in_dim3A_5 {strides = array<i32>} : memref<10000xf32, #tpu.memory_space<vmem>>, vector<16xf32>,
      %mul3A_70 = arith.constant 16 : i32
      %mul3A_71 = arith.muli %scan3A_21, %mul3A_70 : i32
      %add3A_72 = arith.constant 6 : i32
      %add3A_73 = arith.addi %mul3A_71, %add3A_72 : i32
      %mul3A_74 = arith.constant 16 : i32
      %mul3A_75 = arith.muli %add3A_73, %mul3A_74 : i32
      %swap3A_76 = arith.index_cast %mul3A_75 : i32 to index
      %swap3A_77 = tpu.vector_load %arg5[%swap3A_76] {strides = array<i32>} : memref<10000xf32, #tpu.memory_space<vmem>>, vector<16xf32>,
      tpu.vector_store %arg5[%swap3A_76], %broadcast_in_dim3A_5 {strides = array<i32>} : memref<10000xf32, #tpu.memory_space<vmem>>, vector<16xf32>,
      %mul3A_78 = arith.constant 16 : i32
      %mul3A_79 = arith.muli %scan3A_21, %mul3A_78 : i32
      %add3A_80 = arith.constant 7 : i32
      %add3A_81 = arith.addi %mul3A_79, %add3A_80 : i32
      %mul3A_82 = arith.constant 16 : i32
      %mul3A_83 = arith.muli %add3A_81, %mul3A_82 : i32
      %swap3A_84 = arith.index_cast %mul3A_83 : i32 to index
      %swap3A_85 = tpu.vector_load %arg5[%swap3A_84] {strides = array<i32>} : memref<10000xf32, #tpu.memory_space<vmem>>, vector<16xf32>,
      tpu.vector_store %arg5[%swap3A_84], %broadcast_in_dim3A_5 {strides = array<i32>} : memref<10000xf32, #tpu.memory_space<vmem>>, vector<16xf32>,
      %mul3A_86 = arith.constant 16 : i32
      %mul3A_87 = arith.muli %scan3A_21, %mul3A_86 : i32
      %add3A_88 = arith.constant 8 : i32
      %add3A_89 = arith.addi %mul3A_87, %add3A_88 : i32
      %mul3A_90 = arith.constant 16 : i32
      %mul3A_91 = arith.muli %add3A_89, %mul3A_90 : i32
      %swap3A_92 = arith.index_cast %mul3A_91 : i32 to index
      %swap3A_93 = tpu.vector_load %arg5[%swap3A_92] {strides = array<i32>} : memref<10000xf32, #tpu.memory_space<vmem>>, vector<16xf32>,
      tpu.vector_store %arg5[%swap3A_92], %broadcast_in_dim3A_5 {strides = array<i32>} : memref<10000xf32, #tpu.memory_space<vmem>>, vector<16xf32>,
      %mul3A_94 = arith.constant 16 : i32
      %mul3A_95 = arith.muli %scan3A_21, %mul3A_94 : i32
      %add3A_96 = arith.constant 9 : i32
      %add3A_97 = arith.addi %mul3A_95, %add3A_96 : i32
      %mul3A_98 = arith.constant 16 : i32
      %mul3A_99 = arith.muli %add3A_97, %mul3A_98 : i32
      %swap3A_100 = arith.index_cast %mul3A_99 : i32 to index
      %swap3A_101 = tpu.vector_load %arg5[%swap3A_100] {strides = array<i32>} : memref<10000xf32, #tpu.memory_space<vmem>>, vector<16xf32>,
      tpu.vector_store %arg5[%swap3A_100], %broadcast_in_dim3A_5 {strides = array<i32>} : memref<10000xf32, #tpu.memory_space<vmem>>, vector<16xf32>,
      %mul3A_102 = arith.constant 16 : i32
      %mul3A_103 = arith.muli %scan3A_21, %mul3A_102 : i32
      %add3A_104 = arith.constant 10 : i32
      %add3A_105 = arith.addi %mul3A_103, %add3A_104 : i32
      %mul3A_106 = arith.constant 16 : i32
      %mul3A_107 = arith.muli %add3A_105, %mul3A_106 : i32
      %swap3A_108 = arith.index_cast %mul3A_107 : i32 to index
      %swap3A_109 = tpu.vector_load %arg5[%swap3A_108] {strides = array<i32>} : memref<10000xf32, #tpu.memory_space<vmem>>, vector<16xf32>,
      tpu.vector_store %arg5[%swap3A_108], %broadcast_in_dim3A_5 {strides = array<i32>} : memref<10000xf32, #tpu.memory_space<vmem>>, vector<16xf32>,
      %mul3A_110 = arith.constant 16 : i32
      %mul3A_111 = arith.muli %scan3A_21, %mul3A_110 : i32
      %add3A_112 = arith.constant 11 : i32
      %add3A_113 = arith.addi %mul3A_111, %add3A_112 : i32
      %mul3A_114 = arith.constant 16 : i32
      %mul3A_115 = arith.muli %add3A_113, %mul3A_114 : i32
      %swap3A_116 = arith.index_cast %mul3A_115 : i32 to index
      %swap3A_117 = tpu.vector_load %arg5[%swap3A_116] {strides = array<i32>} : memref<10000xf32, #tpu.memory_space<vmem>>, vector<16xf32>,
      tpu.vector_store %arg5[%swap3A_116], %broadcast_in_dim3A_5 {strides = array<i32>} : memref<10000xf32, #tpu.memory_space<vmem>>, vector<16xf32>,
      %mul3A_118 = arith.constant 16 : i32
      %mul3A_119 = arith.muli %scan3A_21, %mul3A_118 : i32
      %add3A_120 = arith.constant 12 : i32
      %add3A_121 = arith.addi %mul3A_119, %add3A_120 : i32
      %mul3A_122 = arith.constant 16 : i32
      %mul3A_123 = arith.muli %add3A_121, %mul3A_122 : i32
      %swap3A_124 = arith.index_cast %mul3A_123 : i32 to index
      %swap3A_125 = tpu.vector_load %arg5[%swap3A_124] {strides = array<i32>} : memref<10000xf32, #tpu.memory_space<vmem>>, vector<16xf32>,
      tpu.vector_store %arg5[%swap3A_124], %broadcast_in_dim3A_5 {strides = array<i32>} : memref<10000xf32, #tpu.memory_space<vmem>>, vector<16xf32>,
      %mul3A_126 = arith.constant 16 : i32
      %mul3A_127 = arith.muli %scan3A_21, %mul3A_126 : i32
      %add3A_128 = arith.constant 13 : i32
      %add3A_129 = arith.addi %mul3A_127, %add3A_128 : i32
      %mul3A_130 = arith.constant 16 : i32
      %mul3A_131 = arith.muli %add3A_129, %mul3A_130 : i32
      %swap3A_132 = arith.index_cast %mul3A_131 : i32 to index
      %swap3A_133 = tpu.vector_load %arg5[%swap3A_132] {strides = array<i32>} : memref<10000xf32, #tpu.memory_space<vmem>>, vector<16xf32>,
      tpu.vector_store %arg5[%swap3A_132], %broadcast_in_dim3A_5 {strides = array<i32>} : memref<10000xf32, #tpu.memory_space<vmem>>, vector<16xf32>,
      %mul3A_134 = arith.constant 16 : i32
      %mul3A_135 = arith.muli %scan3A_21, %mul3A_134 : i32
      %add3A_136 = arith.constant 14 : i32
      %add3A_137 = arith.addi %mul3A_135, %add3A_136 : i32
      %mul3A_138 = arith.constant 16 : i32
      %mul3A_139 = arith.muli %add3A_137, %mul3A_138 : i32
      %swap3A_140 = arith.index_cast %mul3A_139 : i32 to index
      %swap3A_141 = tpu.vector_load %arg5[%swap3A_140] {strides = array<i32>} : memref<10000xf32, #tpu.memory_space<vmem>>, vector<16xf32>,
      tpu.vector_store %arg5[%swap3A_140], %broadcast_in_dim3A_5 {strides = array<i32>} : memref<10000xf32, #tpu.memory_space<vmem>>, vector<16xf32>,
      %mul3A_142 = arith.constant 16 : i32
      %mul3A_143 = arith.muli %scan3A_21, %mul3A_142 : i32
      %add3A_144 = arith.constant 15 : i32
      %add3A_145 = arith.addi %mul3A_143, %add3A_144 : i32
      %mul3A_146 = arith.constant 16 : i32
      %mul3A_147 = arith.muli %add3A_145, %mul3A_146 : i32
      %swap3A_148 = arith.index_cast %mul3A_147 : i32 to index
      %swap3A_149 = tpu.vector_load %arg5[%swap3A_148] {strides = array<i32>} : memref<10000xf32, #tpu.memory_space<vmem>>, vector<16xf32>,
      tpu.vector_store %arg5[%swap3A_148], %broadcast_in_dim3A_5 {strides = array<i32>} : memref<10000xf32, #tpu.memory_space<vmem>>, vector<16xf32>,
    }
    %scan3A_10 = arith.constant 39 : i32
    %swap3A = arith.constant 9984 : index
    %swap3A_11 = tpu.vector_load %arg5[%swap3A] {strides = array<i32>} : memref<10000xf32, #tpu.memory_space<vmem>>, vector<16xf32>,
    tpu.vector_store %arg5[%swap3A], %broadcast_in_dim3A_5 {strides = array<i32>} : memref<10000xf32, #tpu.memory_space<vmem>>, vector<16xf32>,
    %broadcast_in_dim3A_12 = arith.constant 1.000000e+00 : f32
    %broadcast_in_dim3A_13 = vector.broadcast %broadcast_in_dim3A_12 : f32 to vector<16xf32>
    %scan3A_14 = arith.constant 0 : i32
    %scan3A_15 = arith.constant 0 : i32
    %scan3A_16 = arith.constant 39 : i32
    %scan3A_17 = arith.addi %scan3A_15, %scan3A_16 : i32
    %scan3A_18 = arith.constant 1 : i32
    scf.for %scan3A_21 = %scan3A_15 to %scan3A_17 step %scan3A_18  : i32 {
      %mul3A_22 = arith.constant 16 : i32
      %mul3A_23 = arith.muli %scan3A_21, %mul3A_22 : i32
      %add3A_24 = arith.constant 0 : i32
      %add3A_25 = arith.addi %mul3A_23, %add3A_24 : i32
      %mul3A_26 = arith.constant 16 : i32
      %mul3A_27 = arith.muli %add3A_25, %mul3A_26 : i32
      %get3A_28 = arith.index_cast %mul3A_27 : i32 to index
      %get3A_29 = tpu.vector_load %arg4[%get3A_28] {strides = array<i32>} : memref<10000xi32, #tpu.memory_space<vmem>>, vector<16xi32>,
      tpu.vector_store_idx %arg5[%get3A_29], %broadcast_in_dim3A_13 : memref<10000xf32, #tpu.memory_space<vmem>>[vector<16xi32>], vector<16xf32>,
      %mul3A_30 = arith.constant 16 : i32
      %mul3A_31 = arith.muli %scan3A_21, %mul3A_30 : i32
      %add3A_32 = arith.constant 1 : i32
      %add3A_33 = arith.addi %mul3A_31, %add3A_32 : i32
      %mul3A_34 = arith.constant 16 : i32
      %mul3A_35 = arith.muli %add3A_33, %mul3A_34 : i32
      %get3A_36 = arith.index_cast %mul3A_35 : i32 to index
      %get3A_37 = tpu.vector_load %arg4[%get3A_36] {strides = array<i32>} : memref<10000xi32, #tpu.memory_space<vmem>>, vector<16xi32>,
      tpu.vector_store_idx %arg5[%get3A_37], %broadcast_in_dim3A_13 : memref<10000xf32, #tpu.memory_space<vmem>>[vector<16xi32>], vector<16xf32>,
      %mul3A_38 = arith.constant 16 : i32
      %mul3A_39 = arith.muli %scan3A_21, %mul3A_38 : i32
      %add3A_40 = arith.constant 2 : i32
      %add3A_41 = arith.addi %mul3A_39, %add3A_40 : i32
      %mul3A_42 = arith.constant 16 : i32
      %mul3A_43 = arith.muli %add3A_41, %mul3A_42 : i32
      %get3A_44 = arith.index_cast %mul3A_43 : i32 to index
      %get3A_45 = tpu.vector_load %arg4[%get3A_44] {strides = array<i32>} : memref<10000xi32, #tpu.memory_space<vmem>>, vector<16xi32>,
      tpu.vector_store_idx %arg5[%get3A_45], %broadcast_in_dim3A_13 : memref<10000xf32, #tpu.memory_space<vmem>>[vector<16xi32>], vector<16xf32>,
      %mul3A_46 = arith.constant 16 : i32
      %mul3A_47 = arith.muli %scan3A_21, %mul3A_46 : i32
      %add3A_48 = arith.constant 3 : i32
      %add3A_49 = arith.addi %mul3A_47, %add3A_48 : i32
      %mul3A_50 = arith.constant 16 : i32
      %mul3A_51 = arith.muli %add3A_49, %mul3A_50 : i32
      %get3A_52 = arith.index_cast %mul3A_51 : i32 to index
      %get3A_53 = tpu.vector_load %arg4[%get3A_52] {strides = array<i32>} : memref<10000xi32, #tpu.memory_space<vmem>>, vector<16xi32>,
      tpu.vector_store_idx %arg5[%get3A_53], %broadcast_in_dim3A_13 : memref<10000xf32, #tpu.memory_space<vmem>>[vector<16xi32>], vector<16xf32>,
      %mul3A_54 = arith.constant 16 : i32
      %mul3A_55 = arith.muli %scan3A_21, %mul3A_54 : i32
      %add3A_56 = arith.constant 4 : i32
      %add3A_57 = arith.addi %mul3A_55, %add3A_56 : i32
      %mul3A_58 = arith.constant 16 : i32
      %mul3A_59 = arith.muli %add3A_57, %mul3A_58 : i32
      %get3A_60 = arith.index_cast %mul3A_59 : i32 to index
      %get3A_61 = tpu.vector_load %arg4[%get3A_60] {strides = array<i32>} : memref<10000xi32, #tpu.memory_space<vmem>>, vector<16xi32>,
      tpu.vector_store_idx %arg5[%get3A_61], %broadcast_in_dim3A_13 : memref<10000xf32, #tpu.memory_space<vmem>>[vector<16xi32>], vector<16xf32>,
      %mul3A_62 = arith.constant 16 : i32
      %mul3A_63 = arith.muli %scan3A_21, %mul3A_62 : i32
      %add3A_64 = arith.constant 5 : i32
      %add3A_65 = arith.addi %mul3A_63, %add3A_64 : i32
      %mul3A_66 = arith.constant 16 : i32
      %mul3A_67 = arith.muli %add3A_65, %mul3A_66 : i32
      %get3A_68 = arith.index_cast %mul3A_67 : i32 to index
      %get3A_69 = tpu.vector_load %arg4[%get3A_68] {strides = array<i32>} : memref<10000xi32, #tpu.memory_space<vmem>>, vector<16xi32>,
      tpu.vector_store_idx %arg5[%get3A_69], %broadcast_in_dim3A_13 : memref<10000xf32, #tpu.memory_space<vmem>>[vector<16xi32>], vector<16xf32>,
      %mul3A_70 = arith.constant 16 : i32
      %mul3A_71 = arith.muli %scan3A_21, %mul3A_70 : i32
      %add3A_72 = arith.constant 6 : i32
      %add3A_73 = arith.addi %mul3A_71, %add3A_72 : i32
      %mul3A_74 = arith.constant 16 : i32
      %mul3A_75 = arith.muli %add3A_73, %mul3A_74 : i32
      %get3A_76 = arith.index_cast %mul3A_75 : i32 to index
      %get3A_77 = tpu.vector_load %arg4[%get3A_76] {strides = array<i32>} : memref<10000xi32, #tpu.memory_space<vmem>>, vector<16xi32>,
      tpu.vector_store_idx %arg5[%get3A_77], %broadcast_in_dim3A_13 : memref<10000xf32, #tpu.memory_space<vmem>>[vector<16xi32>], vector<16xf32>,
      %mul3A_78 = arith.constant 16 : i32
      %mul3A_79 = arith.muli %scan3A_21, %mul3A_78 : i32
      %add3A_80 = arith.constant 7 : i32
      %add3A_81 = arith.addi %mul3A_79, %add3A_80 : i32
      %mul3A_82 = arith.constant 16 : i32
      %mul3A_83 = arith.muli %add3A_81, %mul3A_82 : i32
      %get3A_84 = arith.index_cast %mul3A_83 : i32 to index
      %get3A_85 = tpu.vector_load %arg4[%get3A_84] {strides = array<i32>} : memref<10000xi32, #tpu.memory_space<vmem>>, vector<16xi32>,
      tpu.vector_store_idx %arg5[%get3A_85], %broadcast_in_dim3A_13 : memref<10000xf32, #tpu.memory_space<vmem>>[vector<16xi32>], vector<16xf32>,
      %mul3A_86 = arith.constant 16 : i32
      %mul3A_87 = arith.muli %scan3A_21, %mul3A_86 : i32
      %add3A_88 = arith.constant 8 : i32
      %add3A_89 = arith.addi %mul3A_87, %add3A_88 : i32
      %mul3A_90 = arith.constant 16 : i32
      %mul3A_91 = arith.muli %add3A_89, %mul3A_90 : i32
      %get3A_92 = arith.index_cast %mul3A_91 : i32 to index
      %get3A_93 = tpu.vector_load %arg4[%get3A_92] {strides = array<i32>} : memref<10000xi32, #tpu.memory_space<vmem>>, vector<16xi32>,
      tpu.vector_store_idx %arg5[%get3A_93], %broadcast_in_dim3A_13 : memref<10000xf32, #tpu.memory_space<vmem>>[vector<16xi32>], vector<16xf32>,
      %mul3A_94 = arith.constant 16 : i32
      %mul3A_95 = arith.muli %scan3A_21, %mul3A_94 : i32
      %add3A_96 = arith.constant 9 : i32
      %add3A_97 = arith.addi %mul3A_95, %add3A_96 : i32
      %mul3A_98 = arith.constant 16 : i32
      %mul3A_99 = arith.muli %add3A_97, %mul3A_98 : i32
      %get3A_100 = arith.index_cast %mul3A_99 : i32 to index
      %get3A_101 = tpu.vector_load %arg4[%get3A_100] {strides = array<i32>} : memref<10000xi32, #tpu.memory_space<vmem>>, vector<16xi32>,
      tpu.vector_store_idx %arg5[%get3A_101], %broadcast_in_dim3A_13 : memref<10000xf32, #tpu.memory_space<vmem>>[vector<16xi32>], vector<16xf32>,
      %mul3A_102 = arith.constant 16 : i32
      %mul3A_103 = arith.muli %scan3A_21, %mul3A_102 : i32
      %add3A_104 = arith.constant 10 : i32
      %add3A_105 = arith.addi %mul3A_103, %add3A_104 : i32
      %mul3A_106 = arith.constant 16 : i32
      %mul3A_107 = arith.muli %add3A_105, %mul3A_106 : i32
      %get3A_108 = arith.index_cast %mul3A_107 : i32 to index
      %get3A_109 = tpu.vector_load %arg4[%get3A_108] {strides = array<i32>} : memref<10000xi32, #tpu.memory_space<vmem>>, vector<16xi32>,
      tpu.vector_store_idx %arg5[%get3A_109], %broadcast_in_dim3A_13 : memref<10000xf32, #tpu.memory_space<vmem>>[vector<16xi32>], vector<16xf32>,
      %mul3A_110 = arith.constant 16 : i32
      %mul3A_111 = arith.muli %scan3A_21, %mul3A_110 : i32
      %add3A_112 = arith.constant 11 : i32
      %add3A_113 = arith.addi %mul3A_111, %add3A_112 : i32
      %mul3A_114 = arith.constant 16 : i32
      %mul3A_115 = arith.muli %add3A_113, %mul3A_114 : i32
      %get3A_116 = arith.index_cast %mul3A_115 : i32 to index
      %get3A_117 = tpu.vector_load %arg4[%get3A_116] {strides = array<i32>} : memref<10000xi32, #tpu.memory_space<vmem>>, vector<16xi32>,
      tpu.vector_store_idx %arg5[%get3A_117], %broadcast_in_dim3A_13 : memref<10000xf32, #tpu.memory_space<vmem>>[vector<16xi32>], vector<16xf32>,
      %mul3A_118 = arith.constant 16 : i32
      %mul3A_119 = arith.muli %scan3A_21, %mul3A_118 : i32
      %add3A_120 = arith.constant 12 : i32
      %add3A_121 = arith.addi %mul3A_119, %add3A_120 : i32
      %mul3A_122 = arith.constant 16 : i32
      %mul3A_123 = arith.muli %add3A_121, %mul3A_122 : i32
      %get3A_124 = arith.index_cast %mul3A_123 : i32 to index
      %get3A_125 = tpu.vector_load %arg4[%get3A_124] {strides = array<i32>} : memref<10000xi32, #tpu.memory_space<vmem>>, vector<16xi32>,
      tpu.vector_store_idx %arg5[%get3A_125], %broadcast_in_dim3A_13 : memref<10000xf32, #tpu.memory_space<vmem>>[vector<16xi32>], vector<16xf32>,
      %mul3A_126 = arith.constant 16 : i32
      %mul3A_127 = arith.muli %scan3A_21, %mul3A_126 : i32
      %add3A_128 = arith.constant 13 : i32
      %add3A_129 = arith.addi %mul3A_127, %add3A_128 : i32
      %mul3A_130 = arith.constant 16 : i32
      %mul3A_131 = arith.muli %add3A_129, %mul3A_130 : i32
      %get3A_132 = arith.index_cast %mul3A_131 : i32 to index
      %get3A_133 = tpu.vector_load %arg4[%get3A_132] {strides = array<i32>} : memref<10000xi32, #tpu.memory_space<vmem>>, vector<16xi32>,
      tpu.vector_store_idx %arg5[%get3A_133], %broadcast_in_dim3A_13 : memref<10000xf32, #tpu.memory_space<vmem>>[vector<16xi32>], vector<16xf32>,
      %mul3A_134 = arith.constant 16 : i32
      %mul3A_135 = arith.muli %scan3A_21, %mul3A_134 : i32
      %add3A_136 = arith.constant 14 : i32
      %add3A_137 = arith.addi %mul3A_135, %add3A_136 : i32
      %mul3A_138 = arith.constant 16 : i32
      %mul3A_139 = arith.muli %add3A_137, %mul3A_138 : i32
      %get3A_140 = arith.index_cast %mul3A_139 : i32 to index
      %get3A_141 = tpu.vector_load %arg4[%get3A_140] {strides = array<i32>} : memref<10000xi32, #tpu.memory_space<vmem>>, vector<16xi32>,
      tpu.vector_store_idx %arg5[%get3A_141], %broadcast_in_dim3A_13 : memref<10000xf32, #tpu.memory_space<vmem>>[vector<16xi32>], vector<16xf32>,
      %mul3A_142 = arith.constant 16 : i32
      %mul3A_143 = arith.muli %scan3A_21, %mul3A_142 : i32
      %add3A_144 = arith.constant 15 : i32
      %add3A_145 = arith.addi %mul3A_143, %add3A_144 : i32
      %mul3A_146 = arith.constant 16 : i32
      %mul3A_147 = arith.muli %add3A_145, %mul3A_146 : i32
      %get3A_148 = arith.index_cast %mul3A_147 : i32 to index
      %get3A_149 = tpu.vector_load %arg4[%get3A_148] {strides = array<i32>} : memref<10000xi32, #tpu.memory_space<vmem>>, vector<16xi32>,
      tpu.vector_store_idx %arg5[%get3A_149], %broadcast_in_dim3A_13 : memref<10000xf32, #tpu.memory_space<vmem>>[vector<16xi32>], vector<16xf32>,
    }
    %scan3A_19 = arith.constant 39 : i32
    %get3A = arith.constant 9984 : index
    %get3A_20 = tpu.vector_load %arg4[%get3A] {strides = array<i32>} : memref<10000xi32, #tpu.memory_space<vmem>>, vector<16xi32>,
    tpu.vector_store_idx %arg5[%get3A_20], %broadcast_in_dim3A_13 : memref<10000xf32, #tpu.memory_space<vmem>>[vector<16xi32>], vector<16xf32>,
    "tpu.region"() ({
      %run_scoped3A = tpu.sem_alloc : memref<!tpu.dma_semaphore, #tpu.memory_space<semaphore_mem>>
      %dma_start3A = arith.constant 0 : i32
      %dma_start3A_21 = tpu.memref_slice %arg3[%add3A, %dma_start3A] : memref<32x10000xf32, #tpu.memory_space<hbm>> -> memref<1x10000xf32, #tpu.memory_space<hbm>>
      %dma_start3A_22 = tpu.memref_squeeze %dma_start3A_21 : memref<1x10000xf32, #tpu.memory_space<hbm>> -> memref<10000xf32, #tpu.memory_space<hbm>>
      %dma_start3A_23 = arith.constant 0 : i32
      %dma_start3A_24 = tpu.memref_slice %arg3[%add3A, %dma_start3A_23] : memref<32x10000xf32, #tpu.memory_space<hbm>> -> memref<1x10000xf32, #tpu.memory_space<hbm>>
      %dma_start3A_25 = tpu.memref_squeeze %dma_start3A_24 : memref<1x10000xf32, #tpu.memory_space<hbm>> -> memref<10000xf32, #tpu.memory_space<hbm>>
      tpu.enqueue_dma source(%arg5 : memref<10000xf32, #tpu.memory_space<vmem>>) target(%dma_start3A_25 : memref<10000xf32, #tpu.memory_space<hbm>>) target_semaphore(%run_scoped3A : memref<!tpu.dma_semaphore, #tpu.memory_space<semaphore_mem>>)
      %dma_wait3A = arith.constant 0 : i32
      %dma_wait3A_26 = tpu.memref_slice %arg3[%add3A, %dma_wait3A] : memref<32x10000xf32, #tpu.memory_space<hbm>> -> memref<1x10000xf32, #tpu.memory_space<hbm>>
      %dma_wait3A_27 = tpu.memref_squeeze %dma_wait3A_26 : memref<1x10000xf32, #tpu.memory_space<hbm>> -> memref<10000xf32, #tpu.memory_space<hbm>>
      %dma_wait3A_28 = arith.constant 0 : i32
      %dma_wait3A_29 = tpu.memref_slice %arg3[%add3A, %dma_wait3A_28] : memref<32x10000xf32, #tpu.memory_space<hbm>> -> memref<1x10000xf32, #tpu.memory_space<hbm>>
      %dma_wait3A_30 = tpu.memref_squeeze %dma_wait3A_29 : memref<1x10000xf32, #tpu.memory_space<hbm>> -> memref<10000xf32, #tpu.memory_space<hbm>>
      tpu.wait_dma2 semaphore(%run_scoped3A : memref<!tpu.dma_semaphore, #tpu.memory_space<semaphore_mem>>) src(%arg5 : memref<10000xf32, #tpu.memory_space<vmem>>) dst(%dma_wait3A_30 : memref<10000xf32, #tpu.memory_space<hbm>>)
      tpu.yield
    }) : () -> ()
    return
  }
}

module attributes {stable_mosaic.version = 14 : i64} {
  func.func @_tc_imp_body(%arg0: memref<10000x128xf32, #tpu.memory_space<vmem>>, %arg1: memref<128x64xf32, #tpu.memory_space<vmem>>, %arg2: memref<1x64xf32, #tpu.memory_space<vmem>>, %arg3: memref<1x64xf32, #tpu.memory_space<vmem>>, %arg4: memref<1x1xf32, #tpu.memory_space<vmem>>, %arg5: memref<1x10000xf32, #tpu.memory_space<vmem>>, %arg6: memref<1x128xf32, #tpu.memory_space<vmem>>) attributes {dimension_semantics = [], scalar_prefetch = 0 : i64, scratch_operands = 0 : i64, tpu.core_type = #tpu.core_type<tc>} {
    %get3A = arith.constant 0 : index
    %get3A_0 = arith.constant 0 : index
    %get3A_1 = vector.load %arg0[%get3A, %get3A_0] : memref<10000x128xf32, #tpu.memory_space<vmem>>, vector<10000x128xf32>
    %get3A_2 = arith.constant 0 : index
    %get3A_3 = arith.constant 0 : index
    %get3A_4 = vector.load %arg1[%get3A_2, %get3A_3] : memref<128x64xf32, #tpu.memory_space<vmem>>, vector<128x64xf32>
    %dot_general3A = arith.constant dense<0.000000e+00> : vector<10000x64xf32>
    %dot_general3A_5 = tpu.matmul %get3A_1, %get3A_4, %dot_general3A {dimension_numbers = #tpu.dot_dimension_numbers<[1], [0], [0], [1], [0, 0, 1, 1], [], []>, transpose_lhs_hint = false} : vector<10000x128xf32>, vector<128x64xf32>, vector<10000x64xf32> -> vector<10000x64xf32>
    %get3A_6 = arith.constant 0 : index
    %get3A_7 = arith.constant 0 : index
    %get3A_8 = vector.load %arg2[%get3A_6, %get3A_7] : memref<1x64xf32, #tpu.memory_space<vmem>>, vector<1x64xf32>
    %add3A = vector.broadcast %get3A_8 : vector<1x64xf32> to vector<10000x64xf32>
    %add3A_9 = arith.addf %dot_general3A_5, %add3A : vector<10000x64xf32>
    %max3A = arith.constant 0.000000e+00 : f32
    %max3A_10 = vector.broadcast %max3A : f32 to vector<10000x64xf32>
    %max3A_11 = arith.maximumf %add3A_9, %max3A_10 : vector<10000x64xf32>
    %get3A_12 = arith.constant 0 : index
    %get3A_13 = arith.constant 0 : index
    %get3A_14 = vector.load %arg3[%get3A_12, %get3A_13] : memref<1x64xf32, #tpu.memory_space<vmem>>, vector<1x64xf32>
    %dot_general3A_15 = arith.constant dense<0.000000e+00> : vector<1x10000xf32>
    %dot_general3A_16 = tpu.matmul %get3A_14, %max3A_11, %dot_general3A_15 {dimension_numbers = #tpu.dot_dimension_numbers<[1], [1], [0], [0], [0, 0, 1, 0], [], []>, transpose_lhs_hint = false} : vector<1x64xf32>, vector<10000x64xf32>, vector<1x10000xf32> -> vector<1x10000xf32>
    %get3A_17 = arith.constant 0 : index
    %get3A_18 = arith.constant 0 : index
    %get3A_19 = vector.load %arg4[%get3A_17, %get3A_18] : memref<1x1xf32, #tpu.memory_space<vmem>>, vector<1x1xf32>
    %add3A_20 = vector.broadcast %get3A_19 : vector<1x1xf32> to vector<1x10000xf32>
    %add3A_21 = arith.addf %dot_general3A_16, %add3A_20 : vector<1x10000xf32>
    %swap3A = arith.constant 0 : index
    %swap3A_22 = arith.constant 0 : index
    %swap3A_23 = vector.load %arg5[%swap3A, %swap3A_22] : memref<1x10000xf32, #tpu.memory_space<vmem>>, vector<1x10000xf32>
    tpu.vector_store %arg5[%swap3A, %swap3A_22], %add3A_21 {strides = array<i32>} : memref<1x10000xf32, #tpu.memory_space<vmem>>, vector<1x10000xf32>,
    %reduce_sum3A = arith.constant dense<0.000000e+00> : vector<128xf32>
    %reduce_sum3A_24 = vector.multi_reduction <add>, %get3A_1, %reduce_sum3A [0] : vector<10000x128xf32> to vector<128xf32>
    %broadcast_in_dim3A = vector.shape_cast %reduce_sum3A_24 : vector<128xf32> to vector<1x128xf32>
    %mul3A = arith.constant 9.99999974E-5 : f32
    %mul3A_25 = vector.broadcast %mul3A : f32 to vector<1x128xf32>
    %mul3A_26 = arith.mulf %broadcast_in_dim3A, %mul3A_25 : vector<1x128xf32>
    %swap3A_27 = arith.constant 0 : index
    %swap3A_28 = arith.constant 0 : index
    %swap3A_29 = vector.load %arg6[%swap3A_27, %swap3A_28] : memref<1x128xf32, #tpu.memory_space<vmem>>, vector<1x128xf32>
    tpu.vector_store %arg6[%swap3A_27, %swap3A_28], %mul3A_26 {strides = array<i32>} : memref<1x128xf32, #tpu.memory_space<vmem>>, vector<1x128xf32>,
    return
  }
}

module attributes {stable_mosaic.version = 14 : i64} {
  func.func @_tc_body(%arg0: memref<10000x128xf32, #tpu.memory_space<any>>, %arg1: memref<32x10000xf32, #tpu.memory_space<vmem>>, %arg2: memref<1x10000xf32, #tpu.memory_space<vmem>>, %arg3: memref<1x128xf32, #tpu.memory_space<vmem>>, %arg4: memref<256x128xf32, #tpu.memory_space<vmem>>, %arg5: memref<1x128xf32, #tpu.memory_space<vmem>>, %arg6: memref<1x128xf32, #tpu.memory_space<vmem>>, %arg7: memref<1x128xf32, #tpu.memory_space<vmem>>, %arg8: memref<8x128xi32, #tpu.memory_space<vmem>>, %arg9: memref<16x128xf32, #tpu.memory_space<vmem>>, %arg10: memref<16x128xf32, #tpu.memory_space<vmem>>, %arg11: memref<!tpu.dma_semaphore, #tpu.memory_space<semaphore_mem>>) attributes {dimension_semantics = [], scalar_prefetch = 0 : i64, scratch_operands = 2 : i64, tpu.core_type = #tpu.core_type<tc>} {
    %get3A = arith.constant 0 : index
    %get3A_0 = arith.constant 0 : index
    %get3A_1 = vector.load %arg2[%get3A, %get3A_0] : memref<1x10000xf32, #tpu.memory_space<vmem>>, vector<1x10000xf32>
    %get3A_2 = arith.constant 0 : index
    %get3A_3 = arith.constant 0 : index
    %get3A_4 = vector.load %arg1[%get3A_2, %get3A_3] : memref<32x10000xf32, #tpu.memory_space<vmem>>, vector<32x10000xf32>
    %reduce_sum3A = arith.constant dense<0.000000e+00> : vector<10000xf32>
    %reduce_sum3A_5 = vector.multi_reduction <add>, %get3A_4, %reduce_sum3A [0] : vector<32x10000xf32> to vector<10000xf32>
    %broadcast_in_dim3A = vector.shape_cast %reduce_sum3A_5 : vector<10000xf32> to vector<1x10000xf32>
    %gt3A = arith.constant 0.000000e+00 : f32
    %gt3A_6 = vector.broadcast %gt3A : f32 to vector<1x10000xf32>
    %gt3A_7 = arith.cmpf ogt, %broadcast_in_dim3A, %gt3A_6 : vector<1x10000xf32>
    %jit3A = arith.constant 0xFF800000 : f32
    %broadcast_in_dim3A_8 = vector.broadcast %jit3A : f32 to vector<1x10000xf32>
    %select_n3A = arith.select %gt3A_7, %get3A_1, %broadcast_in_dim3A_8 : vector<1x10000xi1>, vector<1x10000xf32>
    %iota3A = tpu.iota {dimensions = array<i32: 1>} : vector<1x10000xi32>
    %ge3A = arith.constant 0 : i32
    %ge3A_9 = vector.broadcast %ge3A : i32 to vector<1x10000xi32>
    %ge3A_10 = arith.cmpi sge, %iota3A, %ge3A_9 : vector<1x10000xi32>
    %jit3A_11 = arith.constant 0xFF800000 : f32
    %broadcast_in_dim3A_12 = vector.broadcast %jit3A_11 : f32 to vector<1x10000xf32>
    %select_n3A_13 = arith.select %ge3A_10, %select_n3A, %broadcast_in_dim3A_12 : vector<1x10000xi1>, vector<1x10000xf32>
    %reduce_max3A = vector.shape_cast %select_n3A_13 : vector<1x10000xf32> to vector<1x1x10000xf32>
    %reduce_max3A_14 = arith.constant dense<0xFF800000> : vector<1xf32>
    %reduce_max3A_15 = vector.multi_reduction <maximumf>, %reduce_max3A, %reduce_max3A_14 [1, 2] : vector<1x1x10000xf32> to vector<1xf32>
    %reduce_max3A_16 = vector.shape_cast %reduce_max3A_15 : vector<1xf32> to vector<1x1x1xf32>
    %reduce_max3A_17 = vector.extract %reduce_max3A_16[0, 0, 0] : f32 from vector<1x1x1xf32>
    %eq3A = vector.broadcast %reduce_max3A_17 : f32 to vector<1x10000xf32>
    %eq3A_18 = arith.cmpf oeq, %select_n3A_13, %eq3A : vector<1x10000xf32>
    %and3A = arith.andi %eq3A_18, %ge3A_10 : vector<1x10000xi1>
    %jit3A_19 = arith.constant 10000 : i32
    %broadcast_in_dim3A_20 = vector.broadcast %jit3A_19 : i32 to vector<1x10000xi32>
    %select_n3A_21 = arith.select %and3A, %iota3A, %broadcast_in_dim3A_20 : vector<1x10000xi1>, vector<1x10000xi32>
    %reduce_min3A = vector.shape_cast %select_n3A_21 : vector<1x10000xi32> to vector<1x1x10000xi32>
    %reduce_min3A_22 = arith.constant dense<2147483647> : vector<1xi32>
    %reduce_min3A_23 = vector.multi_reduction <minsi>, %reduce_min3A, %reduce_min3A_22 [1, 2] : vector<1x1x10000xi32> to vector<1xi32>
    %reduce_min3A_24 = vector.shape_cast %reduce_min3A_23 : vector<1xi32> to vector<1x1x1xi32>
    %reduce_min3A_25 = vector.extract %reduce_min3A_24[0, 0, 0] : i32 from vector<1x1x1xi32>
    %ne3A = vector.broadcast %reduce_min3A_25 : i32 to vector<1x10000xi32>
    %ne3A_26 = arith.cmpi ne, %iota3A, %ne3A : vector<1x10000xi32>
    %and3A_27 = arith.andi %ge3A_10, %ne3A_26 : vector<1x10000xi1>
    %jit3A_28 = arith.constant 0xFF800000 : f32
    %broadcast_in_dim3A_29 = vector.broadcast %jit3A_28 : f32 to vector<1x10000xf32>
    %select_n3A_30 = arith.select %and3A_27, %select_n3A, %broadcast_in_dim3A_29 : vector<1x10000xi1>, vector<1x10000xf32>
    %reduce_max3A_31 = vector.shape_cast %select_n3A_30 : vector<1x10000xf32> to vector<1x1x10000xf32>
    %reduce_max3A_32 = arith.constant dense<0xFF800000> : vector<1xf32>
    %reduce_max3A_33 = vector.multi_reduction <maximumf>, %reduce_max3A_31, %reduce_max3A_32 [1, 2] : vector<1x1x10000xf32> to vector<1xf32>
    %reduce_max3A_34 = vector.shape_cast %reduce_max3A_33 : vector<1xf32> to vector<1x1x1xf32>
    %reduce_max3A_35 = vector.extract %reduce_max3A_34[0, 0, 0] : f32 from vector<1x1x1xf32>
    %eq3A_36 = vector.broadcast %reduce_max3A_35 : f32 to vector<1x10000xf32>
    %eq3A_37 = arith.cmpf oeq, %select_n3A_30, %eq3A_36 : vector<1x10000xf32>
    %and3A_38 = arith.andi %eq3A_37, %and3A_27 : vector<1x10000xi1>
    %jit3A_39 = arith.constant 10000 : i32
    %broadcast_in_dim3A_40 = vector.broadcast %jit3A_39 : i32 to vector<1x10000xi32>
    %select_n3A_41 = arith.select %and3A_38, %iota3A, %broadcast_in_dim3A_40 : vector<1x10000xi1>, vector<1x10000xi32>
    %reduce_min3A_42 = vector.shape_cast %select_n3A_41 : vector<1x10000xi32> to vector<1x1x10000xi32>
    %reduce_min3A_43 = arith.constant dense<2147483647> : vector<1xi32>
    %reduce_min3A_44 = vector.multi_reduction <minsi>, %reduce_min3A_42, %reduce_min3A_43 [1, 2] : vector<1x1x10000xi32> to vector<1xi32>
    %reduce_min3A_45 = vector.shape_cast %reduce_min3A_44 : vector<1xi32> to vector<1x1x1xi32>
    %reduce_min3A_46 = vector.extract %reduce_min3A_45[0, 0, 0] : i32 from vector<1x1x1xi32>
    %ne3A_47 = vector.broadcast %reduce_min3A_46 : i32 to vector<1x10000xi32>
    %ne3A_48 = arith.cmpi ne, %iota3A, %ne3A_47 : vector<1x10000xi32>
    %and3A_49 = arith.andi %and3A_27, %ne3A_48 : vector<1x10000xi1>
    %jit3A_50 = arith.constant 0xFF800000 : f32
    %broadcast_in_dim3A_51 = vector.broadcast %jit3A_50 : f32 to vector<1x10000xf32>
    %select_n3A_52 = arith.select %and3A_49, %select_n3A, %broadcast_in_dim3A_51 : vector<1x10000xi1>, vector<1x10000xf32>
    %reduce_max3A_53 = vector.shape_cast %select_n3A_52 : vector<1x10000xf32> to vector<1x1x10000xf32>
    %reduce_max3A_54 = arith.constant dense<0xFF800000> : vector<1xf32>
    %reduce_max3A_55 = vector.multi_reduction <maximumf>, %reduce_max3A_53, %reduce_max3A_54 [1, 2] : vector<1x1x10000xf32> to vector<1xf32>
    %reduce_max3A_56 = vector.shape_cast %reduce_max3A_55 : vector<1xf32> to vector<1x1x1xf32>
    %reduce_max3A_57 = vector.extract %reduce_max3A_56[0, 0, 0] : f32 from vector<1x1x1xf32>
    %eq3A_58 = vector.broadcast %reduce_max3A_57 : f32 to vector<1x10000xf32>
    %eq3A_59 = arith.cmpf oeq, %select_n3A_52, %eq3A_58 : vector<1x10000xf32>
    %and3A_60 = arith.andi %eq3A_59, %and3A_49 : vector<1x10000xi1>
    %jit3A_61 = arith.constant 10000 : i32
    %broadcast_in_dim3A_62 = vector.broadcast %jit3A_61 : i32 to vector<1x10000xi32>
    %select_n3A_63 = arith.select %and3A_60, %iota3A, %broadcast_in_dim3A_62 : vector<1x10000xi1>, vector<1x10000xi32>
    %reduce_min3A_64 = vector.shape_cast %select_n3A_63 : vector<1x10000xi32> to vector<1x1x10000xi32>
    %reduce_min3A_65 = arith.constant dense<2147483647> : vector<1xi32>
    %reduce_min3A_66 = vector.multi_reduction <minsi>, %reduce_min3A_64, %reduce_min3A_65 [1, 2] : vector<1x1x10000xi32> to vector<1xi32>
    %reduce_min3A_67 = vector.shape_cast %reduce_min3A_66 : vector<1xi32> to vector<1x1x1xi32>
    %reduce_min3A_68 = vector.extract %reduce_min3A_67[0, 0, 0] : i32 from vector<1x1x1xi32>
    %ne3A_69 = vector.broadcast %reduce_min3A_68 : i32 to vector<1x10000xi32>
    %ne3A_70 = arith.cmpi ne, %iota3A, %ne3A_69 : vector<1x10000xi32>
    %and3A_71 = arith.andi %and3A_49, %ne3A_70 : vector<1x10000xi1>
    %jit3A_72 = arith.constant 0xFF800000 : f32
    %broadcast_in_dim3A_73 = vector.broadcast %jit3A_72 : f32 to vector<1x10000xf32>
    %select_n3A_74 = arith.select %and3A_71, %select_n3A, %broadcast_in_dim3A_73 : vector<1x10000xi1>, vector<1x10000xf32>
    %reduce_max3A_75 = vector.shape_cast %select_n3A_74 : vector<1x10000xf32> to vector<1x1x10000xf32>
    %reduce_max3A_76 = arith.constant dense<0xFF800000> : vector<1xf32>
    %reduce_max3A_77 = vector.multi_reduction <maximumf>, %reduce_max3A_75, %reduce_max3A_76 [1, 2] : vector<1x1x10000xf32> to vector<1xf32>
    %reduce_max3A_78 = vector.shape_cast %reduce_max3A_77 : vector<1xf32> to vector<1x1x1xf32>
    %reduce_max3A_79 = vector.extract %reduce_max3A_78[0, 0, 0] : f32 from vector<1x1x1xf32>
    %eq3A_80 = vector.broadcast %reduce_max3A_79 : f32 to vector<1x10000xf32>
    %eq3A_81 = arith.cmpf oeq, %select_n3A_74, %eq3A_80 : vector<1x10000xf32>
    %and3A_82 = arith.andi %eq3A_81, %and3A_71 : vector<1x10000xi1>
    %jit3A_83 = arith.constant 10000 : i32
    %broadcast_in_dim3A_84 = vector.broadcast %jit3A_83 : i32 to vector<1x10000xi32>
    %select_n3A_85 = arith.select %and3A_82, %iota3A, %broadcast_in_dim3A_84 : vector<1x10000xi1>, vector<1x10000xi32>
    %reduce_min3A_86 = vector.shape_cast %select_n3A_85 : vector<1x10000xi32> to vector<1x1x10000xi32>
    %reduce_min3A_87 = arith.constant dense<2147483647> : vector<1xi32>
    %reduce_min3A_88 = vector.multi_reduction <minsi>, %reduce_min3A_86, %reduce_min3A_87 [1, 2] : vector<1x1x10000xi32> to vector<1xi32>
    %reduce_min3A_89 = vector.shape_cast %reduce_min3A_88 : vector<1xi32> to vector<1x1x1xi32>
    %reduce_min3A_90 = vector.extract %reduce_min3A_89[0, 0, 0] : i32 from vector<1x1x1xi32>
    %ne3A_91 = vector.broadcast %reduce_min3A_90 : i32 to vector<1x10000xi32>
    %ne3A_92 = arith.cmpi ne, %iota3A, %ne3A_91 : vector<1x10000xi32>
    %and3A_93 = arith.andi %and3A_71, %ne3A_92 : vector<1x10000xi1>
    %jit3A_94 = arith.constant 0xFF800000 : f32
    %broadcast_in_dim3A_95 = vector.broadcast %jit3A_94 : f32 to vector<1x10000xf32>
    %select_n3A_96 = arith.select %and3A_93, %select_n3A, %broadcast_in_dim3A_95 : vector<1x10000xi1>, vector<1x10000xf32>
    %reduce_max3A_97 = vector.shape_cast %select_n3A_96 : vector<1x10000xf32> to vector<1x1x10000xf32>
    %reduce_max3A_98 = arith.constant dense<0xFF800000> : vector<1xf32>
    %reduce_max3A_99 = vector.multi_reduction <maximumf>, %reduce_max3A_97, %reduce_max3A_98 [1, 2] : vector<1x1x10000xf32> to vector<1xf32>
    %reduce_max3A_100 = vector.shape_cast %reduce_max3A_99 : vector<1xf32> to vector<1x1x1xf32>
    %reduce_max3A_101 = vector.extract %reduce_max3A_100[0, 0, 0] : f32 from vector<1x1x1xf32>
    %eq3A_102 = vector.broadcast %reduce_max3A_101 : f32 to vector<1x10000xf32>
    %eq3A_103 = arith.cmpf oeq, %select_n3A_96, %eq3A_102 : vector<1x10000xf32>
    %and3A_104 = arith.andi %eq3A_103, %and3A_93 : vector<1x10000xi1>
    %jit3A_105 = arith.constant 10000 : i32
    %broadcast_in_dim3A_106 = vector.broadcast %jit3A_105 : i32 to vector<1x10000xi32>
    %select_n3A_107 = arith.select %and3A_104, %iota3A, %broadcast_in_dim3A_106 : vector<1x10000xi1>, vector<1x10000xi32>
    %reduce_min3A_108 = vector.shape_cast %select_n3A_107 : vector<1x10000xi32> to vector<1x1x10000xi32>
    %reduce_min3A_109 = arith.constant dense<2147483647> : vector<1xi32>
    %reduce_min3A_110 = vector.multi_reduction <minsi>, %reduce_min3A_108, %reduce_min3A_109 [1, 2] : vector<1x1x10000xi32> to vector<1xi32>
    %reduce_min3A_111 = vector.shape_cast %reduce_min3A_110 : vector<1xi32> to vector<1x1x1xi32>
    %reduce_min3A_112 = vector.extract %reduce_min3A_111[0, 0, 0] : i32 from vector<1x1x1xi32>
    %ne3A_113 = vector.broadcast %reduce_min3A_112 : i32 to vector<1x10000xi32>
    %ne3A_114 = arith.cmpi ne, %iota3A, %ne3A_113 : vector<1x10000xi32>
    %and3A_115 = arith.andi %and3A_93, %ne3A_114 : vector<1x10000xi1>
    %jit3A_116 = arith.constant 0xFF800000 : f32
    %broadcast_in_dim3A_117 = vector.broadcast %jit3A_116 : f32 to vector<1x10000xf32>
    %select_n3A_118 = arith.select %and3A_115, %select_n3A, %broadcast_in_dim3A_117 : vector<1x10000xi1>, vector<1x10000xf32>
    %reduce_max3A_119 = vector.shape_cast %select_n3A_118 : vector<1x10000xf32> to vector<1x1x10000xf32>
    %reduce_max3A_120 = arith.constant dense<0xFF800000> : vector<1xf32>
    %reduce_max3A_121 = vector.multi_reduction <maximumf>, %reduce_max3A_119, %reduce_max3A_120 [1, 2] : vector<1x1x10000xf32> to vector<1xf32>
    %reduce_max3A_122 = vector.shape_cast %reduce_max3A_121 : vector<1xf32> to vector<1x1x1xf32>
    %reduce_max3A_123 = vector.extract %reduce_max3A_122[0, 0, 0] : f32 from vector<1x1x1xf32>
    %eq3A_124 = vector.broadcast %reduce_max3A_123 : f32 to vector<1x10000xf32>
    %eq3A_125 = arith.cmpf oeq, %select_n3A_118, %eq3A_124 : vector<1x10000xf32>
    %and3A_126 = arith.andi %eq3A_125, %and3A_115 : vector<1x10000xi1>
    %jit3A_127 = arith.constant 10000 : i32
    %broadcast_in_dim3A_128 = vector.broadcast %jit3A_127 : i32 to vector<1x10000xi32>
    %select_n3A_129 = arith.select %and3A_126, %iota3A, %broadcast_in_dim3A_128 : vector<1x10000xi1>, vector<1x10000xi32>
    %reduce_min3A_130 = vector.shape_cast %select_n3A_129 : vector<1x10000xi32> to vector<1x1x10000xi32>
    %reduce_min3A_131 = arith.constant dense<2147483647> : vector<1xi32>
    %reduce_min3A_132 = vector.multi_reduction <minsi>, %reduce_min3A_130, %reduce_min3A_131 [1, 2] : vector<1x1x10000xi32> to vector<1xi32>
    %reduce_min3A_133 = vector.shape_cast %reduce_min3A_132 : vector<1xi32> to vector<1x1x1xi32>
    %reduce_min3A_134 = vector.extract %reduce_min3A_133[0, 0, 0] : i32 from vector<1x1x1xi32>
    %ne3A_135 = vector.broadcast %reduce_min3A_134 : i32 to vector<1x10000xi32>
    %ne3A_136 = arith.cmpi ne, %iota3A, %ne3A_135 : vector<1x10000xi32>
    %and3A_137 = arith.andi %and3A_115, %ne3A_136 : vector<1x10000xi1>
    %jit3A_138 = arith.constant 0xFF800000 : f32
    %broadcast_in_dim3A_139 = vector.broadcast %jit3A_138 : f32 to vector<1x10000xf32>
    %select_n3A_140 = arith.select %and3A_137, %select_n3A, %broadcast_in_dim3A_139 : vector<1x10000xi1>, vector<1x10000xf32>
    %reduce_max3A_141 = vector.shape_cast %select_n3A_140 : vector<1x10000xf32> to vector<1x1x10000xf32>
    %reduce_max3A_142 = arith.constant dense<0xFF800000> : vector<1xf32>
    %reduce_max3A_143 = vector.multi_reduction <maximumf>, %reduce_max3A_141, %reduce_max3A_142 [1, 2] : vector<1x1x10000xf32> to vector<1xf32>
    %reduce_max3A_144 = vector.shape_cast %reduce_max3A_143 : vector<1xf32> to vector<1x1x1xf32>
    %reduce_max3A_145 = vector.extract %reduce_max3A_144[0, 0, 0] : f32 from vector<1x1x1xf32>
    %eq3A_146 = vector.broadcast %reduce_max3A_145 : f32 to vector<1x10000xf32>
    %eq3A_147 = arith.cmpf oeq, %select_n3A_140, %eq3A_146 : vector<1x10000xf32>
    %and3A_148 = arith.andi %eq3A_147, %and3A_137 : vector<1x10000xi1>
    %jit3A_149 = arith.constant 10000 : i32
    %broadcast_in_dim3A_150 = vector.broadcast %jit3A_149 : i32 to vector<1x10000xi32>
    %select_n3A_151 = arith.select %and3A_148, %iota3A, %broadcast_in_dim3A_150 : vector<1x10000xi1>, vector<1x10000xi32>
    %reduce_min3A_152 = vector.shape_cast %select_n3A_151 : vector<1x10000xi32> to vector<1x1x10000xi32>
    %reduce_min3A_153 = arith.constant dense<2147483647> : vector<1xi32>
    %reduce_min3A_154 = vector.multi_reduction <minsi>, %reduce_min3A_152, %reduce_min3A_153 [1, 2] : vector<1x1x10000xi32> to vector<1xi32>
    %reduce_min3A_155 = vector.shape_cast %reduce_min3A_154 : vector<1xi32> to vector<1x1x1xi32>
    %reduce_min3A_156 = vector.extract %reduce_min3A_155[0, 0, 0] : i32 from vector<1x1x1xi32>
    %ne3A_157 = vector.broadcast %reduce_min3A_156 : i32 to vector<1x10000xi32>
    %ne3A_158 = arith.cmpi ne, %iota3A, %ne3A_157 : vector<1x10000xi32>
    %and3A_159 = arith.andi %and3A_137, %ne3A_158 : vector<1x10000xi1>
    %jit3A_160 = arith.constant 0xFF800000 : f32
    %broadcast_in_dim3A_161 = vector.broadcast %jit3A_160 : f32 to vector<1x10000xf32>
    %select_n3A_162 = arith.select %and3A_159, %select_n3A, %broadcast_in_dim3A_161 : vector<1x10000xi1>, vector<1x10000xf32>
    %reduce_max3A_163 = vector.shape_cast %select_n3A_162 : vector<1x10000xf32> to vector<1x1x10000xf32>
    %reduce_max3A_164 = arith.constant dense<0xFF800000> : vector<1xf32>
    %reduce_max3A_165 = vector.multi_reduction <maximumf>, %reduce_max3A_163, %reduce_max3A_164 [1, 2] : vector<1x1x10000xf32> to vector<1xf32>
    %reduce_max3A_166 = vector.shape_cast %reduce_max3A_165 : vector<1xf32> to vector<1x1x1xf32>
    %reduce_max3A_167 = vector.extract %reduce_max3A_166[0, 0, 0] : f32 from vector<1x1x1xf32>
    %eq3A_168 = vector.broadcast %reduce_max3A_167 : f32 to vector<1x10000xf32>
    %eq3A_169 = arith.cmpf oeq, %select_n3A_162, %eq3A_168 : vector<1x10000xf32>
    %and3A_170 = arith.andi %eq3A_169, %and3A_159 : vector<1x10000xi1>
    %jit3A_171 = arith.constant 10000 : i32
    %broadcast_in_dim3A_172 = vector.broadcast %jit3A_171 : i32 to vector<1x10000xi32>
    %select_n3A_173 = arith.select %and3A_170, %iota3A, %broadcast_in_dim3A_172 : vector<1x10000xi1>, vector<1x10000xi32>
    %reduce_min3A_174 = vector.shape_cast %select_n3A_173 : vector<1x10000xi32> to vector<1x1x10000xi32>
    %reduce_min3A_175 = arith.constant dense<2147483647> : vector<1xi32>
    %reduce_min3A_176 = vector.multi_reduction <minsi>, %reduce_min3A_174, %reduce_min3A_175 [1, 2] : vector<1x1x10000xi32> to vector<1xi32>
    %reduce_min3A_177 = vector.shape_cast %reduce_min3A_176 : vector<1xi32> to vector<1x1x1xi32>
    %reduce_min3A_178 = vector.extract %reduce_min3A_177[0, 0, 0] : i32 from vector<1x1x1xi32>
    %ne3A_179 = vector.broadcast %reduce_min3A_178 : i32 to vector<1x10000xi32>
    %ne3A_180 = arith.cmpi ne, %iota3A, %ne3A_179 : vector<1x10000xi32>
    %and3A_181 = arith.andi %and3A_159, %ne3A_180 : vector<1x10000xi1>
    %jit3A_182 = arith.constant 0xFF800000 : f32
    %broadcast_in_dim3A_183 = vector.broadcast %jit3A_182 : f32 to vector<1x10000xf32>
    %select_n3A_184 = arith.select %and3A_181, %select_n3A, %broadcast_in_dim3A_183 : vector<1x10000xi1>, vector<1x10000xf32>
    %reduce_max3A_185 = vector.shape_cast %select_n3A_184 : vector<1x10000xf32> to vector<1x1x10000xf32>
    %reduce_max3A_186 = arith.constant dense<0xFF800000> : vector<1xf32>
    %reduce_max3A_187 = vector.multi_reduction <maximumf>, %reduce_max3A_185, %reduce_max3A_186 [1, 2] : vector<1x1x10000xf32> to vector<1xf32>
    %reduce_max3A_188 = vector.shape_cast %reduce_max3A_187 : vector<1xf32> to vector<1x1x1xf32>
    %reduce_max3A_189 = vector.extract %reduce_max3A_188[0, 0, 0] : f32 from vector<1x1x1xf32>
    %eq3A_190 = vector.broadcast %reduce_max3A_189 : f32 to vector<1x10000xf32>
    %eq3A_191 = arith.cmpf oeq, %select_n3A_184, %eq3A_190 : vector<1x10000xf32>
    %and3A_192 = arith.andi %eq3A_191, %and3A_181 : vector<1x10000xi1>
    %jit3A_193 = arith.constant 10000 : i32
    %broadcast_in_dim3A_194 = vector.broadcast %jit3A_193 : i32 to vector<1x10000xi32>
    %select_n3A_195 = arith.select %and3A_192, %iota3A, %broadcast_in_dim3A_194 : vector<1x10000xi1>, vector<1x10000xi32>
    %reduce_min3A_196 = vector.shape_cast %select_n3A_195 : vector<1x10000xi32> to vector<1x1x10000xi32>
    %reduce_min3A_197 = arith.constant dense<2147483647> : vector<1xi32>
    %reduce_min3A_198 = vector.multi_reduction <minsi>, %reduce_min3A_196, %reduce_min3A_197 [1, 2] : vector<1x1x10000xi32> to vector<1xi32>
    %reduce_min3A_199 = vector.shape_cast %reduce_min3A_198 : vector<1xi32> to vector<1x1x1xi32>
    %reduce_min3A_200 = vector.extract %reduce_min3A_199[0, 0, 0] : i32 from vector<1x1x1xi32>
    %ne3A_201 = vector.broadcast %reduce_min3A_200 : i32 to vector<1x10000xi32>
    %ne3A_202 = arith.cmpi ne, %iota3A, %ne3A_201 : vector<1x10000xi32>
    %and3A_203 = arith.andi %and3A_181, %ne3A_202 : vector<1x10000xi1>
    %jit3A_204 = arith.constant 0xFF800000 : f32
    %broadcast_in_dim3A_205 = vector.broadcast %jit3A_204 : f32 to vector<1x10000xf32>
    %select_n3A_206 = arith.select %and3A_203, %select_n3A, %broadcast_in_dim3A_205 : vector<1x10000xi1>, vector<1x10000xf32>
    %reduce_max3A_207 = vector.shape_cast %select_n3A_206 : vector<1x10000xf32> to vector<1x1x10000xf32>
    %reduce_max3A_208 = arith.constant dense<0xFF800000> : vector<1xf32>
    %reduce_max3A_209 = vector.multi_reduction <maximumf>, %reduce_max3A_207, %reduce_max3A_208 [1, 2] : vector<1x1x10000xf32> to vector<1xf32>
    %reduce_max3A_210 = vector.shape_cast %reduce_max3A_209 : vector<1xf32> to vector<1x1x1xf32>
    %reduce_max3A_211 = vector.extract %reduce_max3A_210[0, 0, 0] : f32 from vector<1x1x1xf32>
    %eq3A_212 = vector.broadcast %reduce_max3A_211 : f32 to vector<1x10000xf32>
    %eq3A_213 = arith.cmpf oeq, %select_n3A_206, %eq3A_212 : vector<1x10000xf32>
    %and3A_214 = arith.andi %eq3A_213, %and3A_203 : vector<1x10000xi1>
    %jit3A_215 = arith.constant 10000 : i32
    %broadcast_in_dim3A_216 = vector.broadcast %jit3A_215 : i32 to vector<1x10000xi32>
    %select_n3A_217 = arith.select %and3A_214, %iota3A, %broadcast_in_dim3A_216 : vector<1x10000xi1>, vector<1x10000xi32>
    %reduce_min3A_218 = vector.shape_cast %select_n3A_217 : vector<1x10000xi32> to vector<1x1x10000xi32>
    %reduce_min3A_219 = arith.constant dense<2147483647> : vector<1xi32>
    %reduce_min3A_220 = vector.multi_reduction <minsi>, %reduce_min3A_218, %reduce_min3A_219 [1, 2] : vector<1x1x10000xi32> to vector<1xi32>
    %reduce_min3A_221 = vector.shape_cast %reduce_min3A_220 : vector<1xi32> to vector<1x1x1xi32>
    %reduce_min3A_222 = vector.extract %reduce_min3A_221[0, 0, 0] : i32 from vector<1x1x1xi32>
    %broadcast_in_dim3A_223 = arith.constant 0.000000e+00 : f32
    %broadcast_in_dim3A_224 = vector.broadcast %broadcast_in_dim3A_223 : f32 to vector<8x128xf32>
    %swap3A = arith.constant 8 : index
    %swap3A_225 = arith.constant 0 : index
    %swap3A_226 = vector.load %arg10[%swap3A, %swap3A_225] : memref<16x128xf32, #tpu.memory_space<vmem>>, vector<8x128xf32>
    tpu.vector_store %arg10[%swap3A, %swap3A_225], %broadcast_in_dim3A_224 {strides = array<i32>} : memref<16x128xf32, #tpu.memory_space<vmem>>, vector<8x128xf32>,
    %dma_start3A = arith.constant 0 : i32
    %dma_start3A_227 = arith.constant 0 : i32
    %dma_start3A_228 = tpu.memref_slice %arg10[%dma_start3A, %dma_start3A_227] : memref<16x128xf32, #tpu.memory_space<vmem>> -> memref<1x128xf32, #tpu.memory_space<vmem>>
    %dma_start3A_229 = arith.constant 0 : i32
    %dma_start3A_230 = tpu.memref_slice %arg0[%reduce_min3A_25, %dma_start3A_229] : memref<10000x128xf32, #tpu.memory_space<any>> -> memref<1x128xf32, #tpu.memory_space<any>>
    tpu.enqueue_dma source(%dma_start3A_230 : memref<1x128xf32, #tpu.memory_space<any>>) target(%dma_start3A_228 : memref<1x128xf32, #tpu.memory_space<vmem>>) target_semaphore(%arg11 : memref<!tpu.dma_semaphore, #tpu.memory_space<semaphore_mem>>)
    %dma_start3A_231 = arith.constant 1 : i32
    %dma_start3A_232 = arith.constant 0 : i32
    %dma_start3A_233 = tpu.memref_slice %arg10[%dma_start3A_231, %dma_start3A_232] : memref<16x128xf32, #tpu.memory_space<vmem>> -> memref<1x128xf32, #tpu.memory_space<vmem>>
    %dma_start3A_234 = arith.constant 0 : i32
    %dma_start3A_235 = tpu.memref_slice %arg0[%reduce_min3A_46, %dma_start3A_234] : memref<10000x128xf32, #tpu.memory_space<any>> -> memref<1x128xf32, #tpu.memory_space<any>>
    tpu.enqueue_dma source(%dma_start3A_235 : memref<1x128xf32, #tpu.memory_space<any>>) target(%dma_start3A_233 : memref<1x128xf32, #tpu.memory_space<vmem>>) target_semaphore(%arg11 : memref<!tpu.dma_semaphore, #tpu.memory_space<semaphore_mem>>)
    %dma_start3A_236 = arith.constant 2 : i32
    %dma_start3A_237 = arith.constant 0 : i32
    %dma_start3A_238 = tpu.memref_slice %arg10[%dma_start3A_236, %dma_start3A_237] : memref<16x128xf32, #tpu.memory_space<vmem>> -> memref<1x128xf32, #tpu.memory_space<vmem>>
    %dma_start3A_239 = arith.constant 0 : i32
    %dma_start3A_240 = tpu.memref_slice %arg0[%reduce_min3A_68, %dma_start3A_239] : memref<10000x128xf32, #tpu.memory_space<any>> -> memref<1x128xf32, #tpu.memory_space<any>>
    tpu.enqueue_dma source(%dma_start3A_240 : memref<1x128xf32, #tpu.memory_space<any>>) target(%dma_start3A_238 : memref<1x128xf32, #tpu.memory_space<vmem>>) target_semaphore(%arg11 : memref<!tpu.dma_semaphore, #tpu.memory_space<semaphore_mem>>)
    %dma_start3A_241 = arith.constant 3 : i32
    %dma_start3A_242 = arith.constant 0 : i32
    %dma_start3A_243 = tpu.memref_slice %arg10[%dma_start3A_241, %dma_start3A_242] : memref<16x128xf32, #tpu.memory_space<vmem>> -> memref<1x128xf32, #tpu.memory_space<vmem>>
    %dma_start3A_244 = arith.constant 0 : i32
    %dma_start3A_245 = tpu.memref_slice %arg0[%reduce_min3A_90, %dma_start3A_244] : memref<10000x128xf32, #tpu.memory_space<any>> -> memref<1x128xf32, #tpu.memory_space<any>>
    tpu.enqueue_dma source(%dma_start3A_245 : memref<1x128xf32, #tpu.memory_space<any>>) target(%dma_start3A_243 : memref<1x128xf32, #tpu.memory_space<vmem>>) target_semaphore(%arg11 : memref<!tpu.dma_semaphore, #tpu.memory_space<semaphore_mem>>)
    %dma_start3A_246 = arith.constant 4 : i32
    %dma_start3A_247 = arith.constant 0 : i32
    %dma_start3A_248 = tpu.memref_slice %arg10[%dma_start3A_246, %dma_start3A_247] : memref<16x128xf32, #tpu.memory_space<vmem>> -> memref<1x128xf32, #tpu.memory_space<vmem>>
    %dma_start3A_249 = arith.constant 0 : i32
    %dma_start3A_250 = tpu.memref_slice %arg0[%reduce_min3A_112, %dma_start3A_249] : memref<10000x128xf32, #tpu.memory_space<any>> -> memref<1x128xf32, #tpu.memory_space<any>>
    tpu.enqueue_dma source(%dma_start3A_250 : memref<1x128xf32, #tpu.memory_space<any>>) target(%dma_start3A_248 : memref<1x128xf32, #tpu.memory_space<vmem>>) target_semaphore(%arg11 : memref<!tpu.dma_semaphore, #tpu.memory_space<semaphore_mem>>)
    %dma_start3A_251 = arith.constant 5 : i32
    %dma_start3A_252 = arith.constant 0 : i32
    %dma_start3A_253 = tpu.memref_slice %arg10[%dma_start3A_251, %dma_start3A_252] : memref<16x128xf32, #tpu.memory_space<vmem>> -> memref<1x128xf32, #tpu.memory_space<vmem>>
    %dma_start3A_254 = arith.constant 0 : i32
    %dma_start3A_255 = tpu.memref_slice %arg0[%reduce_min3A_134, %dma_start3A_254] : memref<10000x128xf32, #tpu.memory_space<any>> -> memref<1x128xf32, #tpu.memory_space<any>>
    tpu.enqueue_dma source(%dma_start3A_255 : memref<1x128xf32, #tpu.memory_space<any>>) target(%dma_start3A_253 : memref<1x128xf32, #tpu.memory_space<vmem>>) target_semaphore(%arg11 : memref<!tpu.dma_semaphore, #tpu.memory_space<semaphore_mem>>)
    %dma_start3A_256 = arith.constant 6 : i32
    %dma_start3A_257 = arith.constant 0 : i32
    %dma_start3A_258 = tpu.memref_slice %arg10[%dma_start3A_256, %dma_start3A_257] : memref<16x128xf32, #tpu.memory_space<vmem>> -> memref<1x128xf32, #tpu.memory_space<vmem>>
    %dma_start3A_259 = arith.constant 0 : i32
    %dma_start3A_260 = tpu.memref_slice %arg0[%reduce_min3A_156, %dma_start3A_259] : memref<10000x128xf32, #tpu.memory_space<any>> -> memref<1x128xf32, #tpu.memory_space<any>>
    tpu.enqueue_dma source(%dma_start3A_260 : memref<1x128xf32, #tpu.memory_space<any>>) target(%dma_start3A_258 : memref<1x128xf32, #tpu.memory_space<vmem>>) target_semaphore(%arg11 : memref<!tpu.dma_semaphore, #tpu.memory_space<semaphore_mem>>)
    %dma_start3A_261 = arith.constant 7 : i32
    %dma_start3A_262 = arith.constant 0 : i32
    %dma_start3A_263 = tpu.memref_slice %arg10[%dma_start3A_261, %dma_start3A_262] : memref<16x128xf32, #tpu.memory_space<vmem>> -> memref<1x128xf32, #tpu.memory_space<vmem>>
    %dma_start3A_264 = arith.constant 0 : i32
    %dma_start3A_265 = tpu.memref_slice %arg0[%reduce_min3A_178, %dma_start3A_264] : memref<10000x128xf32, #tpu.memory_space<any>> -> memref<1x128xf32, #tpu.memory_space<any>>
    tpu.enqueue_dma source(%dma_start3A_265 : memref<1x128xf32, #tpu.memory_space<any>>) target(%dma_start3A_263 : memref<1x128xf32, #tpu.memory_space<vmem>>) target_semaphore(%arg11 : memref<!tpu.dma_semaphore, #tpu.memory_space<semaphore_mem>>)
    %dma_start3A_266 = arith.constant 8 : i32
    %dma_start3A_267 = arith.constant 0 : i32
    %dma_start3A_268 = tpu.memref_slice %arg10[%dma_start3A_266, %dma_start3A_267] : memref<16x128xf32, #tpu.memory_space<vmem>> -> memref<1x128xf32, #tpu.memory_space<vmem>>
    %dma_start3A_269 = arith.constant 0 : i32
    %dma_start3A_270 = tpu.memref_slice %arg0[%reduce_min3A_200, %dma_start3A_269] : memref<10000x128xf32, #tpu.memory_space<any>> -> memref<1x128xf32, #tpu.memory_space<any>>
    tpu.enqueue_dma source(%dma_start3A_270 : memref<1x128xf32, #tpu.memory_space<any>>) target(%dma_start3A_268 : memref<1x128xf32, #tpu.memory_space<vmem>>) target_semaphore(%arg11 : memref<!tpu.dma_semaphore, #tpu.memory_space<semaphore_mem>>)
    %dma_start3A_271 = arith.constant 9 : i32
    %dma_start3A_272 = arith.constant 0 : i32
    %dma_start3A_273 = tpu.memref_slice %arg10[%dma_start3A_271, %dma_start3A_272] : memref<16x128xf32, #tpu.memory_space<vmem>> -> memref<1x128xf32, #tpu.memory_space<vmem>>
    %dma_start3A_274 = arith.constant 0 : i32
    %dma_start3A_275 = tpu.memref_slice %arg0[%reduce_min3A_222, %dma_start3A_274] : memref<10000x128xf32, #tpu.memory_space<any>> -> memref<1x128xf32, #tpu.memory_space<any>>
    tpu.enqueue_dma source(%dma_start3A_275 : memref<1x128xf32, #tpu.memory_space<any>>) target(%dma_start3A_273 : memref<1x128xf32, #tpu.memory_space<vmem>>) target_semaphore(%arg11 : memref<!tpu.dma_semaphore, #tpu.memory_space<semaphore_mem>>)
    %dma_wait3A = arith.constant 0 : i32
    %dma_wait3A_276 = arith.constant 0 : i32
    %dma_wait3A_277 = tpu.memref_slice %arg10[%dma_wait3A, %dma_wait3A_276] : memref<16x128xf32, #tpu.memory_space<vmem>> -> memref<1x128xf32, #tpu.memory_space<vmem>>
    %dma_wait3A_278 = arith.constant 0 : i32
    %dma_wait3A_279 = tpu.memref_slice %arg0[%reduce_min3A_25, %dma_wait3A_278] : memref<10000x128xf32, #tpu.memory_space<any>> -> memref<1x128xf32, #tpu.memory_space<any>>
    tpu.wait_dma2 semaphore(%arg11 : memref<!tpu.dma_semaphore, #tpu.memory_space<semaphore_mem>>) src(%dma_wait3A_279 : memref<1x128xf32, #tpu.memory_space<any>>) dst(%dma_wait3A_277 : memref<1x128xf32, #tpu.memory_space<vmem>>)
    %dma_wait3A_280 = arith.constant 1 : i32
    %dma_wait3A_281 = arith.constant 0 : i32
    %dma_wait3A_282 = tpu.memref_slice %arg10[%dma_wait3A_280, %dma_wait3A_281] : memref<16x128xf32, #tpu.memory_space<vmem>> -> memref<1x128xf32, #tpu.memory_space<vmem>>
    %dma_wait3A_283 = arith.constant 0 : i32
    %dma_wait3A_284 = tpu.memref_slice %arg0[%reduce_min3A_46, %dma_wait3A_283] : memref<10000x128xf32, #tpu.memory_space<any>> -> memref<1x128xf32, #tpu.memory_space<any>>
    tpu.wait_dma2 semaphore(%arg11 : memref<!tpu.dma_semaphore, #tpu.memory_space<semaphore_mem>>) src(%dma_wait3A_284 : memref<1x128xf32, #tpu.memory_space<any>>) dst(%dma_wait3A_282 : memref<1x128xf32, #tpu.memory_space<vmem>>)
    %dma_wait3A_285 = arith.constant 2 : i32
    %dma_wait3A_286 = arith.constant 0 : i32
    %dma_wait3A_287 = tpu.memref_slice %arg10[%dma_wait3A_285, %dma_wait3A_286] : memref<16x128xf32, #tpu.memory_space<vmem>> -> memref<1x128xf32, #tpu.memory_space<vmem>>
    %dma_wait3A_288 = arith.constant 0 : i32
    %dma_wait3A_289 = tpu.memref_slice %arg0[%reduce_min3A_68, %dma_wait3A_288] : memref<10000x128xf32, #tpu.memory_space<any>> -> memref<1x128xf32, #tpu.memory_space<any>>
    tpu.wait_dma2 semaphore(%arg11 : memref<!tpu.dma_semaphore, #tpu.memory_space<semaphore_mem>>) src(%dma_wait3A_289 : memref<1x128xf32, #tpu.memory_space<any>>) dst(%dma_wait3A_287 : memref<1x128xf32, #tpu.memory_space<vmem>>)
    %dma_wait3A_290 = arith.constant 3 : i32
    %dma_wait3A_291 = arith.constant 0 : i32
    %dma_wait3A_292 = tpu.memref_slice %arg10[%dma_wait3A_290, %dma_wait3A_291] : memref<16x128xf32, #tpu.memory_space<vmem>> -> memref<1x128xf32, #tpu.memory_space<vmem>>
    %dma_wait3A_293 = arith.constant 0 : i32
    %dma_wait3A_294 = tpu.memref_slice %arg0[%reduce_min3A_90, %dma_wait3A_293] : memref<10000x128xf32, #tpu.memory_space<any>> -> memref<1x128xf32, #tpu.memory_space<any>>
    tpu.wait_dma2 semaphore(%arg11 : memref<!tpu.dma_semaphore, #tpu.memory_space<semaphore_mem>>) src(%dma_wait3A_294 : memref<1x128xf32, #tpu.memory_space<any>>) dst(%dma_wait3A_292 : memref<1x128xf32, #tpu.memory_space<vmem>>)
    %dma_wait3A_295 = arith.constant 4 : i32
    %dma_wait3A_296 = arith.constant 0 : i32
    %dma_wait3A_297 = tpu.memref_slice %arg10[%dma_wait3A_295, %dma_wait3A_296] : memref<16x128xf32, #tpu.memory_space<vmem>> -> memref<1x128xf32, #tpu.memory_space<vmem>>
    %dma_wait3A_298 = arith.constant 0 : i32
    %dma_wait3A_299 = tpu.memref_slice %arg0[%reduce_min3A_112, %dma_wait3A_298] : memref<10000x128xf32, #tpu.memory_space<any>> -> memref<1x128xf32, #tpu.memory_space<any>>
    tpu.wait_dma2 semaphore(%arg11 : memref<!tpu.dma_semaphore, #tpu.memory_space<semaphore_mem>>) src(%dma_wait3A_299 : memref<1x128xf32, #tpu.memory_space<any>>) dst(%dma_wait3A_297 : memref<1x128xf32, #tpu.memory_space<vmem>>)
    %dma_wait3A_300 = arith.constant 5 : i32
    %dma_wait3A_301 = arith.constant 0 : i32
    %dma_wait3A_302 = tpu.memref_slice %arg10[%dma_wait3A_300, %dma_wait3A_301] : memref<16x128xf32, #tpu.memory_space<vmem>> -> memref<1x128xf32, #tpu.memory_space<vmem>>
    %dma_wait3A_303 = arith.constant 0 : i32
    %dma_wait3A_304 = tpu.memref_slice %arg0[%reduce_min3A_134, %dma_wait3A_303] : memref<10000x128xf32, #tpu.memory_space<any>> -> memref<1x128xf32, #tpu.memory_space<any>>
    tpu.wait_dma2 semaphore(%arg11 : memref<!tpu.dma_semaphore, #tpu.memory_space<semaphore_mem>>) src(%dma_wait3A_304 : memref<1x128xf32, #tpu.memory_space<any>>) dst(%dma_wait3A_302 : memref<1x128xf32, #tpu.memory_space<vmem>>)
    %dma_wait3A_305 = arith.constant 6 : i32
    %dma_wait3A_306 = arith.constant 0 : i32
    %dma_wait3A_307 = tpu.memref_slice %arg10[%dma_wait3A_305, %dma_wait3A_306] : memref<16x128xf32, #tpu.memory_space<vmem>> -> memref<1x128xf32, #tpu.memory_space<vmem>>
    %dma_wait3A_308 = arith.constant 0 : i32
    %dma_wait3A_309 = tpu.memref_slice %arg0[%reduce_min3A_156, %dma_wait3A_308] : memref<10000x128xf32, #tpu.memory_space<any>> -> memref<1x128xf32, #tpu.memory_space<any>>
    tpu.wait_dma2 semaphore(%arg11 : memref<!tpu.dma_semaphore, #tpu.memory_space<semaphore_mem>>) src(%dma_wait3A_309 : memref<1x128xf32, #tpu.memory_space<any>>) dst(%dma_wait3A_307 : memref<1x128xf32, #tpu.memory_space<vmem>>)
    %dma_wait3A_310 = arith.constant 7 : i32
    %dma_wait3A_311 = arith.constant 0 : i32
    %dma_wait3A_312 = tpu.memref_slice %arg10[%dma_wait3A_310, %dma_wait3A_311] : memref<16x128xf32, #tpu.memory_space<vmem>> -> memref<1x128xf32, #tpu.memory_space<vmem>>
    %dma_wait3A_313 = arith.constant 0 : i32
    %dma_wait3A_314 = tpu.memref_slice %arg0[%reduce_min3A_178, %dma_wait3A_313] : memref<10000x128xf32, #tpu.memory_space<any>> -> memref<1x128xf32, #tpu.memory_space<any>>
    tpu.wait_dma2 semaphore(%arg11 : memref<!tpu.dma_semaphore, #tpu.memory_space<semaphore_mem>>) src(%dma_wait3A_314 : memref<1x128xf32, #tpu.memory_space<any>>) dst(%dma_wait3A_312 : memref<1x128xf32, #tpu.memory_space<vmem>>)
    %dma_wait3A_315 = arith.constant 8 : i32
    %dma_wait3A_316 = arith.constant 0 : i32
    %dma_wait3A_317 = tpu.memref_slice %arg10[%dma_wait3A_315, %dma_wait3A_316] : memref<16x128xf32, #tpu.memory_space<vmem>> -> memref<1x128xf32, #tpu.memory_space<vmem>>
    %dma_wait3A_318 = arith.constant 0 : i32
    %dma_wait3A_319 = tpu.memref_slice %arg0[%reduce_min3A_200, %dma_wait3A_318] : memref<10000x128xf32, #tpu.memory_space<any>> -> memref<1x128xf32, #tpu.memory_space<any>>
    tpu.wait_dma2 semaphore(%arg11 : memref<!tpu.dma_semaphore, #tpu.memory_space<semaphore_mem>>) src(%dma_wait3A_319 : memref<1x128xf32, #tpu.memory_space<any>>) dst(%dma_wait3A_317 : memref<1x128xf32, #tpu.memory_space<vmem>>)
    %dma_wait3A_320 = arith.constant 9 : i32
    %dma_wait3A_321 = arith.constant 0 : i32
    %dma_wait3A_322 = tpu.memref_slice %arg10[%dma_wait3A_320, %dma_wait3A_321] : memref<16x128xf32, #tpu.memory_space<vmem>> -> memref<1x128xf32, #tpu.memory_space<vmem>>
    %dma_wait3A_323 = arith.constant 0 : i32
    %dma_wait3A_324 = tpu.memref_slice %arg0[%reduce_min3A_222, %dma_wait3A_323] : memref<10000x128xf32, #tpu.memory_space<any>> -> memref<1x128xf32, #tpu.memory_space<any>>
    tpu.wait_dma2 semaphore(%arg11 : memref<!tpu.dma_semaphore, #tpu.memory_space<semaphore_mem>>) src(%dma_wait3A_324 : memref<1x128xf32, #tpu.memory_space<any>>) dst(%dma_wait3A_322 : memref<1x128xf32, #tpu.memory_space<vmem>>)
    %get3A_325 = arith.constant 0 : index
    %get3A_326 = arith.constant 0 : index
    %get3A_327 = vector.load %arg10[%get3A_325, %get3A_326] : memref<16x128xf32, #tpu.memory_space<vmem>>, vector<16x128xf32>
    %get3A_328 = arith.constant 0 : index
    %get3A_329 = arith.constant 0 : index
    %get3A_330 = vector.load %arg3[%get3A_328, %get3A_329] : memref<1x128xf32, #tpu.memory_space<vmem>>, vector<1x128xf32>
    %broadcast_in_dim3A_331 = vector.shape_cast %get3A_330 : vector<1x128xf32> to vector<1x128xf32>
    %broadcast_in_dim3A_332 = vector.broadcast %broadcast_in_dim3A_331 : vector<1x128xf32> to vector<16x128xf32>
    %concatenate3A = tpu.concatenate %broadcast_in_dim3A_332, %get3A_327 in 1 : vector<16x128xf32>, vector<16x128xf32> -> vector<16x256xf32>
    %get3A_333 = arith.constant 0 : index
    %get3A_334 = arith.constant 0 : index
    %get3A_335 = vector.load %arg4[%get3A_333, %get3A_334] : memref<256x128xf32, #tpu.memory_space<vmem>>, vector<256x128xf32>
    %dot_general3A = arith.constant dense<0.000000e+00> : vector<16x128xf32>
    %dot_general3A_336 = tpu.matmul %concatenate3A, %get3A_335, %dot_general3A {dimension_numbers = #tpu.dot_dimension_numbers<[1], [0], [0], [1], [0, 0, 1, 1], [], []>, transpose_lhs_hint = false} : vector<16x256xf32>, vector<256x128xf32>, vector<16x128xf32> -> vector<16x128xf32>
    %get3A_337 = arith.constant 0 : index
    %get3A_338 = arith.constant 0 : index
    %get3A_339 = vector.load %arg5[%get3A_337, %get3A_338] : memref<1x128xf32, #tpu.memory_space<vmem>>, vector<1x128xf32>
    %add3A = vector.broadcast %get3A_339 : vector<1x128xf32> to vector<16x128xf32>
    %add3A_340 = arith.addf %dot_general3A_336, %add3A : vector<16x128xf32>
    %reduce_sum3A_341 = arith.constant dense<0.000000e+00> : vector<16xf32>
    %reduce_sum3A_342 = vector.multi_reduction <add>, %add3A_340, %reduce_sum3A_341 [1] : vector<16x128xf32> to vector<16xf32>
    %broadcast_in_dim3A_343 = vector.shape_cast %reduce_sum3A_342 : vector<16xf32> to vector<16x1xf32>
    %div3A = arith.constant 1.280000e+02 : f32
    %div3A_344 = vector.broadcast %div3A : f32 to vector<16x1xf32>
    %div3A_345 = arith.divf %broadcast_in_dim3A_343, %div3A_344 : vector<16x1xf32>
    %sub3A = vector.broadcast %div3A_345 : vector<16x1xf32> to vector<16x128xf32>
    %sub3A_346 = arith.subf %add3A_340, %sub3A : vector<16x128xf32>
    %integer_pow3A = arith.mulf %sub3A_346, %sub3A_346 : vector<16x128xf32>
    %reduce_sum3A_347 = arith.constant dense<0.000000e+00> : vector<16xf32>
    %reduce_sum3A_348 = vector.multi_reduction <add>, %integer_pow3A, %reduce_sum3A_347 [1] : vector<16x128xf32> to vector<16xf32>
    %broadcast_in_dim3A_349 = vector.shape_cast %reduce_sum3A_348 : vector<16xf32> to vector<16x1xf32>
    %div3A_350 = arith.constant 1.280000e+02 : f32
    %div3A_351 = vector.broadcast %div3A_350 : f32 to vector<16x1xf32>
    %div3A_352 = arith.divf %broadcast_in_dim3A_349, %div3A_351 : vector<16x1xf32>
    %sub3A_353 = vector.broadcast %div3A_345 : vector<16x1xf32> to vector<16x128xf32>
    %sub3A_354 = arith.subf %add3A_340, %sub3A_353 : vector<16x128xf32>
    %add3A_355 = arith.constant 9.99999974E-6 : f32
    %add3A_356 = vector.broadcast %add3A_355 : f32 to vector<16x1xf32>
    %add3A_357 = arith.addf %div3A_352, %add3A_356 : vector<16x1xf32>
    %sqrt3A = math.sqrt %add3A_357 : vector<16x1xf32>
    %div3A_358 = vector.broadcast %sqrt3A : vector<16x1xf32> to vector<16x128xf32>
    %div3A_359 = arith.divf %sub3A_354, %div3A_358 : vector<16x128xf32>
    %get3A_360 = arith.constant 0 : index
    %get3A_361 = arith.constant 0 : index
    %get3A_362 = vector.load %arg6[%get3A_360, %get3A_361] : memref<1x128xf32, #tpu.memory_space<vmem>>, vector<1x128xf32>
    %mul3A = vector.broadcast %get3A_362 : vector<1x128xf32> to vector<16x128xf32>
    %mul3A_363 = arith.mulf %div3A_359, %mul3A : vector<16x128xf32>
    %get3A_364 = arith.constant 0 : index
    %get3A_365 = arith.constant 0 : index
    %get3A_366 = vector.load %arg7[%get3A_364, %get3A_365] : memref<1x128xf32, #tpu.memory_space<vmem>>, vector<1x128xf32>
    %add3A_367 = vector.broadcast %get3A_366 : vector<1x128xf32> to vector<16x128xf32>
    %add3A_368 = arith.addf %mul3A_363, %add3A_367 : vector<16x128xf32>
    %max3A = arith.constant 0.000000e+00 : f32
    %max3A_369 = vector.broadcast %max3A : f32 to vector<16x128xf32>
    %max3A_370 = arith.maximumf %add3A_368, %max3A_369 : vector<16x128xf32>
    %swap3A_371 = arith.constant 0 : index
    %swap3A_372 = arith.constant 0 : index
    %swap3A_373 = vector.load %arg9[%swap3A_371, %swap3A_372] : memref<16x128xf32, #tpu.memory_space<vmem>>, vector<16x128xf32>
    tpu.vector_store %arg9[%swap3A_371, %swap3A_372], %max3A_370 {strides = array<i32>} : memref<16x128xf32, #tpu.memory_space<vmem>>, vector<16x128xf32>,
    %iota3A_374 = tpu.iota {dimensions = array<i32: 0>} : vector<8x128xi32>
    %iota3A_375 = tpu.iota {dimensions = array<i32: 1>} : vector<8x128xi32>
    %broadcast_in_dim3A_376 = arith.constant 0 : i32
    %broadcast_in_dim3A_377 = vector.broadcast %broadcast_in_dim3A_376 : i32 to vector<8x128xi32>
    %eq3A_378 = arith.constant 0 : i32
    %eq3A_379 = vector.broadcast %eq3A_378 : i32 to vector<8x128xi32>
    %eq3A_380 = arith.cmpi eq, %iota3A_374, %eq3A_379 : vector<8x128xi32>
    %eq3A_381 = arith.constant 0 : i32
    %eq3A_382 = vector.broadcast %eq3A_381 : i32 to vector<8x128xi32>
    %eq3A_383 = arith.cmpi eq, %iota3A_375, %eq3A_382 : vector<8x128xi32>
    %and3A_384 = arith.andi %eq3A_380, %eq3A_383 : vector<8x128xi1>
    %broadcast_in_dim3A_385 = vector.broadcast %reduce_min3A_25 : i32 to vector<8x128xi32>
    %select_n3A_386 = arith.select %and3A_384, %broadcast_in_dim3A_385, %broadcast_in_dim3A_377 : vector<8x128xi1>, vector<8x128xi32>
    %eq3A_387 = arith.constant 0 : i32
    %eq3A_388 = vector.broadcast %eq3A_387 : i32 to vector<8x128xi32>
    %eq3A_389 = arith.cmpi eq, %iota3A_374, %eq3A_388 : vector<8x128xi32>
    %eq3A_390 = arith.constant 1 : i32
    %eq3A_391 = vector.broadcast %eq3A_390 : i32 to vector<8x128xi32>
    %eq3A_392 = arith.cmpi eq, %iota3A_375, %eq3A_391 : vector<8x128xi32>
    %and3A_393 = arith.andi %eq3A_389, %eq3A_392 : vector<8x128xi1>
    %broadcast_in_dim3A_394 = vector.broadcast %reduce_min3A_46 : i32 to vector<8x128xi32>
    %select_n3A_395 = arith.select %and3A_393, %broadcast_in_dim3A_394, %select_n3A_386 : vector<8x128xi1>, vector<8x128xi32>
    %eq3A_396 = arith.constant 0 : i32
    %eq3A_397 = vector.broadcast %eq3A_396 : i32 to vector<8x128xi32>
    %eq3A_398 = arith.cmpi eq, %iota3A_374, %eq3A_397 : vector<8x128xi32>
    %eq3A_399 = arith.constant 2 : i32
    %eq3A_400 = vector.broadcast %eq3A_399 : i32 to vector<8x128xi32>
    %eq3A_401 = arith.cmpi eq, %iota3A_375, %eq3A_400 : vector<8x128xi32>
    %and3A_402 = arith.andi %eq3A_398, %eq3A_401 : vector<8x128xi1>
    %broadcast_in_dim3A_403 = vector.broadcast %reduce_min3A_68 : i32 to vector<8x128xi32>
    %select_n3A_404 = arith.select %and3A_402, %broadcast_in_dim3A_403, %select_n3A_395 : vector<8x128xi1>, vector<8x128xi32>
    %eq3A_405 = arith.constant 0 : i32
    %eq3A_406 = vector.broadcast %eq3A_405 : i32 to vector<8x128xi32>
    %eq3A_407 = arith.cmpi eq, %iota3A_374, %eq3A_406 : vector<8x128xi32>
    %eq3A_408 = arith.constant 3 : i32
    %eq3A_409 = vector.broadcast %eq3A_408 : i32 to vector<8x128xi32>
    %eq3A_410 = arith.cmpi eq, %iota3A_375, %eq3A_409 : vector<8x128xi32>
    %and3A_411 = arith.andi %eq3A_407, %eq3A_410 : vector<8x128xi1>
    %broadcast_in_dim3A_412 = vector.broadcast %reduce_min3A_90 : i32 to vector<8x128xi32>
    %select_n3A_413 = arith.select %and3A_411, %broadcast_in_dim3A_412, %select_n3A_404 : vector<8x128xi1>, vector<8x128xi32>
    %eq3A_414 = arith.constant 0 : i32
    %eq3A_415 = vector.broadcast %eq3A_414 : i32 to vector<8x128xi32>
    %eq3A_416 = arith.cmpi eq, %iota3A_374, %eq3A_415 : vector<8x128xi32>
    %eq3A_417 = arith.constant 4 : i32
    %eq3A_418 = vector.broadcast %eq3A_417 : i32 to vector<8x128xi32>
    %eq3A_419 = arith.cmpi eq, %iota3A_375, %eq3A_418 : vector<8x128xi32>
    %and3A_420 = arith.andi %eq3A_416, %eq3A_419 : vector<8x128xi1>
    %broadcast_in_dim3A_421 = vector.broadcast %reduce_min3A_112 : i32 to vector<8x128xi32>
    %select_n3A_422 = arith.select %and3A_420, %broadcast_in_dim3A_421, %select_n3A_413 : vector<8x128xi1>, vector<8x128xi32>
    %eq3A_423 = arith.constant 0 : i32
    %eq3A_424 = vector.broadcast %eq3A_423 : i32 to vector<8x128xi32>
    %eq3A_425 = arith.cmpi eq, %iota3A_374, %eq3A_424 : vector<8x128xi32>
    %eq3A_426 = arith.constant 5 : i32
    %eq3A_427 = vector.broadcast %eq3A_426 : i32 to vector<8x128xi32>
    %eq3A_428 = arith.cmpi eq, %iota3A_375, %eq3A_427 : vector<8x128xi32>
    %and3A_429 = arith.andi %eq3A_425, %eq3A_428 : vector<8x128xi1>
    %broadcast_in_dim3A_430 = vector.broadcast %reduce_min3A_134 : i32 to vector<8x128xi32>
    %select_n3A_431 = arith.select %and3A_429, %broadcast_in_dim3A_430, %select_n3A_422 : vector<8x128xi1>, vector<8x128xi32>
    %eq3A_432 = arith.constant 0 : i32
    %eq3A_433 = vector.broadcast %eq3A_432 : i32 to vector<8x128xi32>
    %eq3A_434 = arith.cmpi eq, %iota3A_374, %eq3A_433 : vector<8x128xi32>
    %eq3A_435 = arith.constant 6 : i32
    %eq3A_436 = vector.broadcast %eq3A_435 : i32 to vector<8x128xi32>
    %eq3A_437 = arith.cmpi eq, %iota3A_375, %eq3A_436 : vector<8x128xi32>
    %and3A_438 = arith.andi %eq3A_434, %eq3A_437 : vector<8x128xi1>
    %broadcast_in_dim3A_439 = vector.broadcast %reduce_min3A_156 : i32 to vector<8x128xi32>
    %select_n3A_440 = arith.select %and3A_438, %broadcast_in_dim3A_439, %select_n3A_431 : vector<8x128xi1>, vector<8x128xi32>
    %eq3A_441 = arith.constant 0 : i32
    %eq3A_442 = vector.broadcast %eq3A_441 : i32 to vector<8x128xi32>
    %eq3A_443 = arith.cmpi eq, %iota3A_374, %eq3A_442 : vector<8x128xi32>
    %eq3A_444 = arith.constant 7 : i32
    %eq3A_445 = vector.broadcast %eq3A_444 : i32 to vector<8x128xi32>
    %eq3A_446 = arith.cmpi eq, %iota3A_375, %eq3A_445 : vector<8x128xi32>
    %and3A_447 = arith.andi %eq3A_443, %eq3A_446 : vector<8x128xi1>
    %broadcast_in_dim3A_448 = vector.broadcast %reduce_min3A_178 : i32 to vector<8x128xi32>
    %select_n3A_449 = arith.select %and3A_447, %broadcast_in_dim3A_448, %select_n3A_440 : vector<8x128xi1>, vector<8x128xi32>
    %eq3A_450 = arith.constant 0 : i32
    %eq3A_451 = vector.broadcast %eq3A_450 : i32 to vector<8x128xi32>
    %eq3A_452 = arith.cmpi eq, %iota3A_374, %eq3A_451 : vector<8x128xi32>
    %eq3A_453 = arith.constant 8 : i32
    %eq3A_454 = vector.broadcast %eq3A_453 : i32 to vector<8x128xi32>
    %eq3A_455 = arith.cmpi eq, %iota3A_375, %eq3A_454 : vector<8x128xi32>
    %and3A_456 = arith.andi %eq3A_452, %eq3A_455 : vector<8x128xi1>
    %broadcast_in_dim3A_457 = vector.broadcast %reduce_min3A_200 : i32 to vector<8x128xi32>
    %select_n3A_458 = arith.select %and3A_456, %broadcast_in_dim3A_457, %select_n3A_449 : vector<8x128xi1>, vector<8x128xi32>
    %eq3A_459 = arith.constant 0 : i32
    %eq3A_460 = vector.broadcast %eq3A_459 : i32 to vector<8x128xi32>
    %eq3A_461 = arith.cmpi eq, %iota3A_374, %eq3A_460 : vector<8x128xi32>
    %eq3A_462 = arith.constant 9 : i32
    %eq3A_463 = vector.broadcast %eq3A_462 : i32 to vector<8x128xi32>
    %eq3A_464 = arith.cmpi eq, %iota3A_375, %eq3A_463 : vector<8x128xi32>
    %and3A_465 = arith.andi %eq3A_461, %eq3A_464 : vector<8x128xi1>
    %broadcast_in_dim3A_466 = vector.broadcast %reduce_min3A_222 : i32 to vector<8x128xi32>
    %select_n3A_467 = arith.select %and3A_465, %broadcast_in_dim3A_466, %select_n3A_458 : vector<8x128xi1>, vector<8x128xi32>
    %swap3A_468 = arith.constant 0 : index
    %swap3A_469 = arith.constant 0 : index
    %swap3A_470 = vector.load %arg8[%swap3A_468, %swap3A_469] : memref<8x128xi32, #tpu.memory_space<vmem>>, vector<8x128xi32>
    tpu.vector_store %arg8[%swap3A_468, %swap3A_469], %select_n3A_467 {strides = array<i32>} : memref<8x128xi32, #tpu.memory_space<vmem>>, vector<8x128xi32>,
    return
  }
}

</mosaic_0001>

<sc_bundles>
// kernel: kernel.5.cloned.1.call-start
scs
__scs_entry_jumppad:
0x0: {  	(pc) =	sbr.rel $0x88, $3  }
0x1: {  	(tag) =	ssettag $0x0;
	lr =	simm.s32 $0x1  }
0x2: {  	[smem:$0x3F97] =	sst lr;
	_ =	strace $0xD0000000  }
0x3: {  	_ = 	snop  }
0x4: {  	_ = 	snop  }
0x5: {  	_ = 	snop  }
0x6: {  	_ = 	snop  }
0x7: {  	_ = 	snop  }
__scs_overlays_trampoline_lowered:
0x8: {  	[smem:$0x3FA6] =	sst s0  }
0x9: {  	[smem:$0x3FA7] =	sst s1  }
0xa: {  	[smem:$0x3FA8] =	sst s2  }
0xb: {  	[smem:$0x3FA9] =	sst s3  }
0xc: {  	[smem:$0x3FAA] =	sst s4  }
0xd: {  	[smem:$0x3FAB] =	sst s5  }
0xe: {  	[smem:$0x3FAC] =	sst s6  }
0xf: {  	[smem:$0x3FAD] =	sst s7  }
0x10: {  	[smem:$0x3FAE] =	sst s8  }
0x11: {  	[smem:$0x3FAF] =	sst s9;
	s0 =	simm.s32 @!p0 $0x0  }
0x12: {  	s1 =	sld [smem:$0x3F95];
	s0 =	simm.s32 @p0 $0x1  }
0x13: {  	[smem:$0x3FB0] =	sst s0;
	s0 =	simm.s32 @!p1 $0x0  }
0x14: {  	s2 =	sld [smem:$0x3F94];
	s0 =	simm.s32 @p1 $0x1  }
0x15: {  	[smem:$0x3FB1] =	sst s0;
	s0 =	simm.s32 @!p2 $0x0  }
0x16: {  	s3 =	sld [smem:$0x3FDB];
	s0 =	simm.s32 @p2 $0x1  }
0x17: {  	s4 =	simm.s32 $0x1BF5;
	[smem:$0x3FB3] =	sst s0  }
0x18: {  	s0 =	sld [smem:$0x3F96];
	_ =	swait.ge [sflag:s4], $0x0  }
0x19: {  	s7 =	sld [smem:$0x3F97]  }
0x1a: {  	s8 =	sadd.s32 $0xFFFFE003, lr  }
0x1b: {  	s9 =	sadd.s32 $0xFFFFFEF7, lr;
	s5 =	simm.s32 $0xFFFFFFFF;
	p2 =	slt.u32 s8, $0xFFFFF086  }
0x1c: {  	p1 =	slt.u32 s9, $0xF7A;
	s5 =	simm.s32 @!p2 $0x0  }
0x1d: {  	s5 =	simm.s32 @p1 $0x1;
	p0 =	seq.s32 s7, s2  }
0x1e: {  	s7 =	smul.u32 @!p0 $0xF7A, s2;
	p2 =	seq.s32 @!p0 s5, $0x0  }
0x1f: {  	s9 =	smul.u32 $0xF7A, s1;
	s8 =	simm.s32 @!p0 $0x1BF5;
	p2 =	por !p2, p0  }
0x20: {  	[sflag:s8] =	ssyncset.s32 @!p0 $0xFFFFF086;
	s6 =	sadd.s32 @!p0 s3, s7;
	s7 =	simm.s32 @!p0 $0x108  }
0x21: {  	s3 =	sadd.s32 s3, s9;
	s6 =	sadd.s32 @!p0 $0x88, s6;
	s7 =	simm.s32 @p2 $0x1082  }
0x22: {  	[simem:s7], [sflag:s8] =	dma.local @!p0 [hbm:s6], $0xF7A  }
0x23: {  	s9 =	sor.u32 $0xD0000000, s2;
	s6 =	simm.s32 $0x108;
	_ =	swait.ge @!p0 [sflag:s8], $0x0  }
0x24: {  	s3 =	sadd.s32 $0x88, s3;
	s6 =	simm.s32 @!p1 $0x1082;
	[sflag:s4] =	ssyncset.s32 $0xFFFFF086  }
0x25: {  	[simem:s6], [sflag:s4] =	dma.local [hbm:s3], $0xF7A  }
0x26: {  	[smem:$0x3F97] =	sst s1;
	(tag) =	ssettag s2;
	_ =	strace s9  }
0x27: {  	s1 =	sld [smem:$0x3FA7]  }
0x28: {  	s2 =	sld [smem:$0x3FA8]  }
0x29: {  	s4 =	sld [smem:$0x3FAA]  }
0x2a: {  	p0 =	seq.s32 s5, $0x0;
	s5 =	sld [smem:$0x3FAB]  }
0x2b: {  	s6 =	sld [smem:$0x3FAC]  }
0x2c: {  	s7 =	sld [smem:$0x3FAD]  }
0x2d: {  	s3 =	simm.s32 $0x108;
	s8 =	sld [smem:$0x3FAE]  }
0x2e: {  	s3 =	simm.s32 @!p0 $0x1082;
	s9 =	sld [smem:$0x3FAF]  }
0x2f: {  	lr =	sadd.s32 s0, s3;
	s0 =	sld [smem:$0x3FA6]  }
0x30: {  	s3 =	sld [smem:$0x3FA9]  }
0x31: {  	[smem:$0x3FB2] =	sst s10  }
0x32: {  	s10 =	sld [smem:$0x3FB0];
	_ =	sdelay $0x3  }
0x33: {  	p0 =	seq.s32 s10, $0x1;
	s10 =	sld [smem:$0x3FB2];
	_ =	sdelay $0x3  }
0x34: {  	[smem:$0x3FB2] =	sst s10  }
0x35: {  	s10 =	sld [smem:$0x3FB1];
	_ =	sdelay $0x3  }
0x36: {  	p1 =	seq.s32 s10, $0x1;
	s10 =	sld [smem:$0x3FB2];
	_ =	sdelay $0x3  }
0x37: {  	[smem:$0x3FB2] =	sst s10  }
0x38: {  	s10 =	sld [smem:$0x3FB3]  }
0x39: {  	_ = 	snop;
	(pc) =	sbr.ind lr, $3  }
0x3a: {  	_ = 	snop  }
0x3b: {  	_ = 	snop  }
0x3c: {  	p2 =	seq.s32 s10, $0x1;
	s10 =	sld [smem:$0x3FB2]  }
0x3d: {  	_ =	shalt  }
0x3e: {  	_ =	shalt  }
0x3f: {  	_ =	shalt  }
0x40: {  	_ =	shalt  }
0x41: {  	_ =	shalt  }
0x42: {  	_ =	shalt  }
0x43: {  	_ =	shalt  }
0x44: {  	_ =	shalt  }
0x45: {  	_ =	shalt  }
0x46: {  	_ =	shalt  }
0x47: {  	_ =	shalt  }
0x48: {  	_ =	shalt  }
0x49: {  	_ =	shalt  }
0x4a: {  	_ =	shalt  }
0x4b: {  	_ =	shalt  }
0x4c: {  	_ =	shalt  }
0x4d: {  	_ =	shalt  }
0x4e: {  	_ =	shalt  }
0x4f: {  	_ =	shalt  }
0x50: {  	_ =	shalt  }
0x51: {  	_ =	shalt  }
0x52: {  	_ =	shalt  }
0x53: {  	_ =	shalt  }
0x54: {  	_ =	shalt  }
0x55: {  	_ =	shalt  }
0x56: {  	_ =	shalt  }
0x57: {  	_ =	shalt  }
0x58: {  	_ =	shalt  }
0x59: {  	_ =	shalt  }
0x5a: {  	_ =	shalt  }
0x5b: {  	_ =	shalt  }
0x5c: {  	_ =	shalt  }
0x5d: {  	_ =	shalt  }
0x5e: {  	_ =	shalt  }
0x5f: {  	_ =	shalt  }
0x60: {  	_ =	shalt  }
0x61: {  	_ =	shalt  }
0x62: {  	_ =	shalt  }
0x63: {  	_ =	shalt  }
0x64: {  	_ =	shalt  }
0x65: {  	_ =	shalt  }
0x66: {  	_ =	shalt  }
0x67: {  	_ =	shalt  }
0x68: {  	_ =	shalt  }
0x69: {  	_ =	shalt  }
0x6a: {  	_ =	shalt  }
0x6b: {  	_ =	shalt  }
0x6c: {  	_ =	shalt  }
0x6d: {  	_ =	shalt  }
0x6e: {  	_ =	shalt  }
0x6f: {  	_ =	shalt  }
0x70: {  	_ =	shalt  }
0x71: {  	_ =	shalt  }
0x72: {  	_ =	shalt  }
0x73: {  	_ =	shalt  }
0x74: {  	_ =	shalt  }
0x75: {  	_ =	shalt  }
0x76: {  	_ =	shalt  }
0x77: {  	_ =	shalt  }
0x78: {  	_ =	shalt  }
0x79: {  	_ =	shalt  }
0x7a: {  	_ =	shalt  }
0x7b: {  	_ =	shalt  }
0x7c: {  	_ =	shalt  }
0x7d: {  	_ =	shalt  }
0x7e: {  	_ =	shalt  }
0x7f: {  	_ =	shalt  }
0x80: {  	_ =	shalt  }
0x81: {  	_ =	shalt  }
0x82: {  	_ =	shalt  }
0x83: {  	_ =	shalt  }
0x84: {  	_ =	shalt  }
0x85: {  	_ =	shalt  }
0x86: {  	_ =	shalt  }
0x87: {  	_ =	shalt  }
.Lfunc_end0:
.L_simem_size_0:
called_computation_lowered:
.L_overlay_start_0:
0x88: {  	s2 =	sld [smem:$0x3FD9]  }
0x89: {  	s3 =	sld [smem:$0x3FFE];
	_ =	sdelay $0x1  }
0x8a: {  	s1 =	srdreg.scid  }
0x8b: {  	s0 =	sand.u32 $0x1, s1  }
0x8c: {  	s16 =	sshll.u32 s0, $0xA;
	s2 =	sadd.s32 s3, s2  }
0x8d: {  	s2 =	sadd.s32 s2, s16  }
0x8e: {  	[smem:$0x3FBE] =	sst s2  }
0x8f: {  	_ = 	snop  }
0x90: {  	(tm) =	ssettm $0x1  }
0x91: {  	s17 =	sld [smem:$0x3FFB];
	_ =	sdelay $0x3  }
0x92: {  	_ =	strace s17  }
0x93: {  	s2 =	sld [smem:$0x3FFC];
	_ =	sdelay $0x3  }
0x94: {  	_ =	strace s2  }
0x95: {  	s2 =	sld [smem:$0x3FFD];
	_ =	sdelay $0x3  }
0x96: {  	_ =	strace s2  }
0x97: {  	_ =	strace $0x8FFFFFFF  }
0x98: {  	s18 =	sld [smem:$0x3FDB];
	_ =	sdelay $0x1  }
0x99: {  	s19 =	simm.s32 $_scs_section_size  }
0x9a: {  	s4 =	simm.s32 $_size__tile_overlayer_lowered;
	s5 =	simm.s32 $_tile_overlayer_lowered  }
0x9b: {  	s22 =	simm.s32 $0x1BFF;
	s21 =	sshll.u32 s5, $0x1;
	s2 =	sadd.s32 s19, s18  }
0x9c: {  	s6 =	simm.s32 $0x0;
	s20 =	sshll.u32 s4, $0x1;
	s4 =	sadd.s32 s21, s2  }
0x9d: {  	[timem:s6], [sflag:s22] =	dma.local [hbm:s4], s20  }
0x9e: {  	_ =	swait.ge [sflag:s22], s20  }
0x9f: {  	s3 =	ssub.s32 $0x0, s20;
	[sflag:s22] =	ssyncset.done $0x0  }
0xa0: {  	[sflag:s22] =	ssyncadd.s32 s3;
	_ =	sdelay $0x1  }
0xa1: {  	s23 =	simm.s32 $0x1B8B  }
0xa2: {  	_ =	swait.ge [sflag:s23], $0x1  }
0xa3: {  	[sflag:s23] =	ssyncset.done $0x0  }
0xa4: {  	s25 =	simm.s32 $0x1B8E;
	s24 =	sld [smem:$0x3FFE];
	[sflag:s23] =	ssyncadd.s32 $0xFFFFFFFF  }
0xa5: {  	s26 =	simm.s32 $execute0_lowered;
	[smem:$0x3FD2] =	sst s25  }
0xa6: {  	s4 =	sshll.u32 s26, $0x1;
	_ =	strace $0x80000046;
	[dreg:$0x1] =	wrdreg $0xFFFFFFFF  }
0xa7: {  	s28 =	simm.s32 $_size_execute0_lowered;
	s2 =	sadd.s32 s2, s4;
	[dreg:$0x0] =	wrdreg $0x0  }
0xa8: {  	s4 =	sshll.u32 s28, $0x1;
	[dreg:$0x2] =	wrdreg s2  }
0xa9: {  	[dreg:$0x3] =	wrdreg s4  }
0xaa: {  	[dreg:$0x4] =	wrdreg $0xC0  }
0xab: {  	_ =	task [dreg:s6], $0x5FFFF  }
0xac: {  	[dreg:$0x1] =	wrdreg $0xFFFFFFFF  }
0xad: {  	[dreg:$0x0] =	wrdreg $0x60  }
0xae: {  	[dreg:$0x2] =	wrdreg s24  }
0xaf: {  	[dreg:$0x3] =	wrdreg $0x9  }
0xb0: {  	_ =	task.clear_ibuf [dreg:s6], $0x4FFFF;
	_ =	strace $0x90000046  }
0xb1: {  	s29 =	simm.s32 $0x9;
	_ =	strace $0x80000048  }
0xb2: {  	_ =	swait.ge [sflag:s29], $0x1  }
0xb3: {  	[sflag:s29] =	ssyncadd.s32 $0xFFFFFFFF  }
0xb4: {  	_ =	strace $0x90000048  }
0xb5: {  	_ =	sfence  }
0xb6: {  	s30 =	sld [smem:$0x0];
	_ =	sdelay $0x2  }
0xb7: {  	s31 =	sshll.u32 s1, $0xD;
	s1 =	sshrl.u32 s1, $0x2  }
0xb8: {  	s3 =	sand.u32 $0x4000, s31;
	s1 =	sadd.s32 s1, s30  }
0xb9: {  	s0 =	sor.u32 s3, s0;
	s1 =	sshll.u32 s1, $0x11  }
0xba: {  	s0 =	sor.u32 s1, s0  }
0xbb: {  	s0 =	sadd.s32 $0x8F2B, s0  }
0xbc: {  	[sflag:s0] =	ssyncadd.remote.s32 $0x1  }
0xbd: {  	_ =	sfence.sel $0xFFFF  }
0xbe: {  	[dreg:$0x0] =	wrdreg $0xFFFFFFFF;
	(pc) =	sbr.abs _section_cstart, $3  }
0xbf: {  	[dreg:$0x1] =	wrdreg $0xFFFFFFFF  }
0xc0: {  	_ =	task.clear_ibuf [dreg:s6], $0x2FFFF;
	_ =	strace $0x9FFFFFFF  }
0xc1: {  	(tm) =	ssettm $0x7FFFFFFF  }
tec
execute0_lowered:
.L_overlay_start_1:
0x0: {  	(tag) =	ssettag $0x1  }
0x1: {  	s1 =	srdreg.scid  }
0x2: {  	s0 =	stileid.u32;
	s3 =	rddreg [dreg:$0x0];
	s8 =	simm.s32 $0x80  }
0x3: {  	s9 =	simm.s32 $0x400;
	s10 =	simm.s32 $0x0;
	s4 =	sand.u32 $0x1, s1  }
0x4: {  	s2 =	sshll.u32 s0, $0x1;
	s1 =	rddreg [dreg:$0x1];
	s6 =	sshrl.u32 s0, $0x2  }
0x5: {  	s5 =	sor.u32 s4, s2;
	s2 =	simm.s32 $0x0;
	s6 =	smul.u32 $0x13C00, s6  }
0x6: {  	s4 =	ssub.s32 $0x2, s4;
	s7 =	sshll.u32 s5, $0x7;
	[smem:$0x7FF] =	sst s2  }
0x7: {  	s5 =	smul.u32 $0x2710, s5;
	s30 =	sshrl.u32 s4, $0x1;
	s7 =	sand.u32 $0x380, s7  }
0x8: {  	_ =	strace $0x80000047;
	s31 =	ssub.s32 s4, s30;
	s6 =	sor.u32 s6, s7  }
0x9: {  	s5 =	sshrl.u32 s5, $0x3;
	s7 =	simm.s32 $0x2780;
	s6 =	sshrl.u32 s6, $0x3  }
0xa: {  	s6 =	sadd.s32 s6, s3;
	s3 =	sadd.s32 s3, s5;
	s5 =	smax.u32 s31, $0x1  }
0xb: {  	v0 =	vimm.f32 $0.0e+00;
	v1 =	vimm.f32 $1.000000000e+00;
	s3 =	sadd.s32 $0xBC40, s3;
	s4 =	sadd.s32 $0x15A00, s6;
	s6 =	simm.s32 $0x1  }
.LBB2_1:
0xc: {  	[tilespmem:s2], [sflag:$0x1] =	stream.linear.gather [hbm4b:s3+s2], $0x2710, $0x38;
	[tilespmem:$0x4F00] =	vst v63  }
0xd: {  	_ =	swait.ge [sflag:s6], $0x2710  }
0xe: {  	[sflag:s6] =	ssyncset.done $0x0  }
0xf: {  	s11 =	simm.s32 $0x0;
	s12 =	simm.s32 $0x400;
	[sflag:s6] =	ssyncadd.s32 $0xFFFFD8F0  }
.LBB2_2:
0x10: {  	p0 =	sne.s32 s12, $0x9800;
	[tilespmem:s11+$0x2870] =	vst v0  }
0x11: {  	[tilespmem:s11+$0x2780] =	vst v0  }
0x12: {  	[tilespmem:s11+$0x2790] =	vst v0  }
0x13: {  	[tilespmem:s11+$0x27A0] =	vst v0  }
0x14: {  	[tilespmem:s11+$0x27B0] =	vst v0  }
0x15: {  	[tilespmem:s11+$0x27C0] =	vst v0  }
0x16: {  	[tilespmem:s11+$0x27D0] =	vst v0  }
0x17: {  	[tilespmem:s11+$0x27E0] =	vst v0  }
0x18: {  	[tilespmem:s11+$0x27F0] =	vst v0  }
0x19: {  	[tilespmem:s11+$0x2800] =	vst v0  }
0x1a: {  	[tilespmem:s11+$0x2810] =	vst v0  }
.Ltmp0:
0x1b: {  	[tilespmem:s11+$0x2820] =	vst v0;
	(pc) =	sbr.rel @p0 .LBB2_2-.Ltmp0, $4  }
0x1c: {  	[tilespmem:s11+$0x2830] =	vst v0  }
0x1d: {  	[tilespmem:s11+$0x2840] =	vst v0  }
0x1e: {  	[tilespmem:s11+$0x2850] =	vst v0  }
0x1f: {  	[tilespmem:s11+$0x2860] =	vst v0;
	s11 =	sshra.s32 s12, $0x2;
	s12 =	sadd.s32 $0x400, s12  }
0x20: {  	[tilespmem:s11+$0x2870] =	vst v0  }
0x21: {  	[tilespmem:s11+$0x2780] =	vst v0  }
0x22: {  	[tilespmem:s11+$0x2790] =	vst v0  }
0x23: {  	[tilespmem:s11+$0x27A0] =	vst v0  }
0x24: {  	[tilespmem:s11+$0x27B0] =	vst v0  }
0x25: {  	[tilespmem:s11+$0x27C0] =	vst v0  }
0x26: {  	[tilespmem:s11+$0x27D0] =	vst v0  }
0x27: {  	[tilespmem:s11+$0x27E0] =	vst v0  }
0x28: {  	[tilespmem:s11+$0x27F0] =	vst v0  }
0x29: {  	[tilespmem:s11+$0x2800] =	vst v0  }
0x2a: {  	[tilespmem:s11+$0x2810] =	vst v0  }
0x2b: {  	[tilespmem:s11+$0x2820] =	vst v0  }
0x2c: {  	[tilespmem:s11+$0x2830] =	vst v0  }
0x2d: {  	[tilespmem:s11+$0x2840] =	vst v0  }
0x2e: {  	[tilespmem:s11+$0x2850] =	vst v0  }
0x2f: {  	[tilespmem:s11+$0x2860] =	vst v0  }
0x30: {  	s11 =	simm.s32 $0x0;
	[tilespmem:$0x4E80] =	vst v0  }
.LBB2_4:
0x31: {  	s12 =	sshra.s32 s11, $0x2  }
0x32: {  	v2 =	vld [tilespmem:s12+$0x0];
	_ =	sdelay $0x7  }
0x33: {  	[tilespmem:v2+s7+$0x0] =	vst.idx.msk $0xffff, v1  }
0x34: {  	v2 =	vld [tilespmem:s12+$0x10];
	_ =	sdelay $0x7  }
0x35: {  	[tilespmem:v2+s7+$0x0] =	vst.idx.msk $0xffff, v1  }
0x36: {  	v2 =	vld [tilespmem:s12+$0x20];
	_ =	sdelay $0x7  }
0x37: {  	[tilespmem:v2+s7+$0x0] =	vst.idx.msk $0xffff, v1  }
0x38: {  	v2 =	vld [tilespmem:s12+$0x30];
	_ =	sdelay $0x7  }
0x39: {  	[tilespmem:v2+s7+$0x0] =	vst.idx.msk $0xffff, v1  }
0x3a: {  	v2 =	vld [tilespmem:s12+$0x40];
	_ =	sdelay $0x7  }
0x3b: {  	[tilespmem:v2+s7+$0x0] =	vst.idx.msk $0xffff, v1  }
0x3c: {  	v2 =	vld [tilespmem:s12+$0x50];
	_ =	sdelay $0x7  }
0x3d: {  	[tilespmem:v2+s7+$0x0] =	vst.idx.msk $0xffff, v1  }
0x3e: {  	v2 =	vld [tilespmem:s12+$0x60];
	_ =	sdelay $0x7  }
0x3f: {  	[tilespmem:v2+s7+$0x0] =	vst.idx.msk $0xffff, v1  }
0x40: {  	v2 =	vld [tilespmem:s12+$0x70];
	_ =	sdelay $0x7  }
0x41: {  	[tilespmem:v2+s7+$0x0] =	vst.idx.msk $0xffff, v1  }
0x42: {  	v2 =	vld [tilespmem:s12+$0x80];
	_ =	sdelay $0x7  }
0x43: {  	[tilespmem:v2+s7+$0x0] =	vst.idx.msk $0xffff, v1  }
0x44: {  	v2 =	vld [tilespmem:s12+$0x90];
	_ =	sdelay $0x7  }
0x45: {  	[tilespmem:v2+s7+$0x0] =	vst.idx.msk $0xffff, v1  }
0x46: {  	v2 =	vld [tilespmem:s12+$0xA0];
	_ =	sdelay $0x7  }
0x47: {  	[tilespmem:v2+s7+$0x0] =	vst.idx.msk $0xffff, v1  }
0x48: {  	v2 =	vld [tilespmem:s12+$0xB0];
	_ =	sdelay $0x7  }
0x49: {  	[tilespmem:v2+s7+$0x0] =	vst.idx.msk $0xffff, v1  }
0x4a: {  	v2 =	vld [tilespmem:s12+$0xC0];
	_ =	sdelay $0x7  }
0x4b: {  	[tilespmem:v2+s7+$0x0] =	vst.idx.msk $0xffff, v1  }
0x4c: {  	v2 =	vld [tilespmem:s12+$0xD0];
	_ =	sdelay $0x7  }
0x4d: {  	[tilespmem:v2+s7+$0x0] =	vst.idx.msk $0xffff, v1  }
0x4e: {  	v2 =	vld [tilespmem:s12+$0xE0];
	_ =	sdelay $0x7  }
0x4f: {  	[tilespmem:v2+s7+$0x0] =	vst.idx.msk $0xffff, v1  }
0x50: {  	v2 =	vld [tilespmem:s12+$0xF0];
	_ =	sdelay $0x2  }
0x51: {  	p0 =	sne.s32 s11, $0x9800  }
.Ltmp1:
0x52: {  	_ = 	snop;
	(pc) =	sbr.rel @p0 .LBB2_4-.Ltmp1, $2  }
0x53: {  	_ =	sdelay $0x2  }
0x54: {  	s11 =	sadd.s32 $0x400, s11;
	[tilespmem:v2+s7+$0x0] =	vst.idx.msk $0xffff, v1  }
0x55: {  	v2 =	vld [tilespmem:$0x2700];
	_ =	sdelay $0x5  }
0x56: {  	s10 =	sadd.s32 $0x1, s10  }
0x57: {  	p0 =	sne.s32 s10, s5  }
.Ltmp2:
0x58: {  	[tilespmem:v2+s7+$0x0] =	vst.idx.msk $0xffff, v1;
	(pc) =	sbr.rel @p0 .LBB2_1-.Ltmp2, $4  }
0x59: {  	[hbm4b:s4+s8] =	stream.strided.scatter [tilespmem:s7], [sflag:$0x1], $0x2780, s9, s8, $0x38;
	[tilespmem:$0x4F00] =	vst v63  }
0x5a: {  	_ =	swait.ge [sflag:s6], $0x2780  }
0x5b: {  	[sflag:s6] =	ssyncset.done $0x0  }
0x5c: {  	[sflag:s6] =	ssyncadd.s32 $0xFFFFD880  }
0x5d: {  	_ =	sfence.sel $0x180000  }
0x5e: {  	[bflag:$0x0] =	sbarrier.arrive $0xFFFF  }
0x5f: {  	p0 =	sne.s32 s0, $0x0;
	_ =	strace $0x90000047  }
0x60: {  	s0 =	sadd.s32 @!p0 $0x100000, s1;
	[bflag:$0x2] =	sbarrier.arrive $0xFFFF  }
0x61: {  	[sflag:s0] =	ssyncadd.tile.s32 @!p0 $0x1;
	_ =	shalt  }
.Lfunc_end2:
_tile_overlayer_lowered:
.L_overlay_start_2:
0x62: {  	(tag) =	ssettag $0x2  }
0x63: {  	s0 =	rddreg [dreg:$0x0];
	s2 =	stileid.u32  }
0x64: {  	s1 =	rddreg [dreg:$0x1];
	p0 =	sne.s32 s2, $0x0  }
0x65: {  	s3 =	rddreg [dreg:$0x2];
	[bflag:$0x3] =	sbarrier.arrive $0xFFFF;
	s2 =	simm.s32 @!p0 $0x1C01  }
0x66: {  	[timem:s3], [sflag:s2] =	dma.local @!p0 [hbm:s0], s1  }
0x67: {  	s0 =	simm.s32 @!p0 $0x1  }
0x68: {  	_ =	swait.ge @!p0 [sflag:s0], s1  }
0x69: {  	s1 =	ssub.s32 @!p0 $0x0, s1;
	[sflag:s0] =	ssyncset.done @!p0 $0x0  }
0x6a: {  	[sflag:s0] =	ssyncadd.s32 @!p0 s1  }
0x6b: {  	[bflag:$0x3] =	sbarrier.arrive $0xFFFF  }
0x6c: {  	_ =	shalt  }

</sc_bundles>
